<compile_context>
chip_gen: v7x
topology: tpu7x:2x2x1
jax: 0.10.2.dev20260603
libtpu: 0.0.44.dev20260713+nightly
codegen_flags: <defaults>
</compile_context>

<pallas_src>
import jax
import jax.numpy as jnp
from jax import lax
from jax.experimental import pallas as pl
from jax.experimental.pallas import tpu as pltpu
from jax.experimental.pallas import tpu_sc as plsc

NC = 2
NS = 16
NW = NC * NS

HALF = 256
DM = 2 * HALF
TROWS = 768
RPW = TROWS // NS
CH = 64
NBUF = 2


def _body(idx_hbm, pw_hbm, ph_hbm, out_hbm, ct_hbm,
          xidx, yidx, bufw, idxb, ob0, ob1, g0, g1, s0, s1, sw):
    c = lax.axis_index("c")
    s = lax.axis_index("s")
    wid = s * NC + c

    r0 = s * RPW
    for j in range(3):
        t = r0 + j * 16 + lax.iota(jnp.int32, 16)
        a = t - 2
        valid = (t >= 2) & (t < 644)
        xidx[pl.ds(j * 16, 16)] = jnp.where(valid, a & 31, 32)
        yidx[pl.ds(j * 16, 16)] = jnp.where(valid, a >> 5, 20)
    ctab = ct_hbm.at[c]
    pltpu.async_copy(pw_hbm.at[xidx], bufw, sw).wait()
    pltpu.sync_copy(bufw, ctab.at[pl.ds(r0, RPW), pl.ds(0, HALF)])
    pltpu.async_copy(ph_hbm.at[yidx], bufw, sw).wait()
    pltpu.sync_copy(bufw, ctab.at[pl.ds(r0, RPW), pl.ds(HALF, HALF)])
    plsc.subcore_barrier()

    nchunks = idxb.shape[0]
    row0 = wid * (nchunks * CH)
    pltpu.sync_copy(idx_hbm.at[wid], idxb)

    def gather(k, ob, sem):
        pltpu.async_copy(ctab.at[idxb.at[k]], ob, sem)

    def wait_gather(ob, sem):
        pltpu.make_async_copy(ctab.at[idxb.at[0]], ob, sem).wait()

    def store(k, ob, sem):
        pltpu.async_copy(ob, out_hbm.at[pl.ds(row0 + k * CH, CH)], sem)

    def wait_store(ob, sem):
        pltpu.make_async_copy(ob, out_hbm.at[pl.ds(row0, CH)], sem).wait()

    gather(0, ob0, g0)
    gather(1, ob1, g1)

    @pl.loop(0, nchunks - 2, step=2)
    def _(k):
        wait_gather(ob0, g0)
        store(k, ob0, s0)
        wait_gather(ob1, g1)
        store(k + 1, ob1, s1)
        wait_store(ob0, s0)
        gather(k + 2, ob0, g0)
        wait_store(ob1, s1)
        gather(k + 3, ob1, g1)

    k = nchunks - 2
    wait_gather(ob0, g0)
    store(k, ob0, s0)
    wait_gather(ob1, g1)
    store(k + 1, ob1, s1)
    wait_store(ob0, s0)
    wait_store(ob1, s1)


@jax.jit
def _sc_lookup(idx3d, pw_ext, ph_ext):
    n = idx3d.shape[0] * idx3d.shape[1] * idx3d.shape[2]
    nchunks = idx3d.shape[1]
    run = pl.kernel(
        _body,
        out_type=(jax.ShapeDtypeStruct((n, DM), jnp.float32),
                  jax.ShapeDtypeStruct((NC, TROWS, DM), jnp.float32)),
        mesh=plsc.VectorSubcoreMesh(core_axis_name="c", subcore_axis_name="s"),
        scratch_types=[
            pltpu.VMEM((48,), jnp.int32),
            pltpu.VMEM((48,), jnp.int32),
            pltpu.VMEM((48, HALF), jnp.float32),
            pltpu.VMEM((nchunks, CH), jnp.int32),
            pltpu.VMEM((CH, DM), jnp.float32),
            pltpu.VMEM((CH, DM), jnp.float32),
            pltpu.SemaphoreType.DMA,
            pltpu.SemaphoreType.DMA,
            pltpu.SemaphoreType.DMA,
            pltpu.SemaphoreType.DMA,
            pltpu.SemaphoreType.DMA,
        ],
    )
    out, _ = run(idx3d, pw_ext, ph_ext)
    return out


def kernel(tgt_seq, pos_w_embedding, pos_h_embedding):
    b, seq = tgt_seq.shape
    n = b * seq
    pw_ext = jnp.pad(pos_w_embedding, ((0, 2), (0, 0)))
    ph_ext = jnp.pad(pos_h_embedding, ((0, 2), (0, 0)))
    idx3d = tgt_seq.reshape(NW, n // (NW * CH), CH)
    out = _sc_lookup(idx3d, pw_ext, ph_ext)
    return out.reshape(b, seq, DM)

# --- scband reference (transcript-rebuilt; emitter-appended) ---
"""Pipeline reference for scband-positional-encoding2-d-6347961664010 (READ-ONLY COPY).

The authoritative reference and input builder live on the scoring server;
editing this copy changes nothing except your own understanding.
"""

import jax, jax.numpy as jnp
import numpy as np
import math

D_MODEL_FULL = 512
HALF = D_MODEL_FULL // 2  # internal d_model after halving, = 256
HEIGHT = 20
WIDTH = 32
PAD_IDX = 0
EOS_IDX = 1
N_SPECIAL = 2  # len(pa.special_symbols)
BATCH = 1024
SEQ = 200


def _make_tables():
    den = np.exp(-np.arange(0, HALF, 2, dtype=np.float64) * math.log(10000.0) / HALF)
    pos_h = np.arange(0, HEIGHT, dtype=np.float64).reshape(HEIGHT, 1)
    ph = np.zeros((HEIGHT, HALF), dtype=np.float32)
    ph[:, 0::2] = np.sin(pos_h * den)
    ph[:, 1::2] = np.cos(pos_h * den)
    pos_w = np.arange(0, WIDTH, dtype=np.float64).reshape(WIDTH, 1)
    pw = np.zeros((WIDTH, HALF), dtype=np.float32)
    pw[:, 0::2] = np.sin(pos_w * den)
    pw[:, 1::2] = np.cos(pos_w * den)
    return jnp.asarray(pw), jnp.asarray(ph)


def setup_inputs(seed: int = 0) -> dict:
    key = jax.random.key(seed)
    # values in [0, N_SPECIAL + HEIGHT*WIDTH) = [0, 642); 0/1 are pad/eos
    tgt_seq = jax.random.randint(key, (BATCH, SEQ), 0, N_SPECIAL + HEIGHT * WIDTH, dtype=jnp.int32)
    pw, ph = _make_tables()
    return {"tgt_seq": tgt_seq, "pos_w_embedding": pw, "pos_h_embedding": ph}


def reference(tgt_seq, pos_w_embedding, pos_h_embedding):
    scale = 1
    mask = jnp.logical_and(tgt_seq != PAD_IDX, tgt_seq != EOS_IDX)
    actions = tgt_seq - N_SPECIAL
    # faithful to torch: float floor-div / python-style modulo
    y = (jnp.floor_divide(actions.astype(jnp.float32), WIDTH / scale) + scale // 2).astype(jnp.int32)
    x = (jnp.mod(actions.astype(jnp.float32), WIDTH / scale) + scale // 2).astype(jnp.int32)
    # gather (embedding lookup); masked-out rows are zeroed afterwards so clip is safe
    pe_x = jnp.take(pos_w_embedding, x, axis=0, mode='clip')
    pe_y = jnp.take(pos_h_embedding, y, axis=0, mode='clip')
    pe = jnp.concatenate([pe_x, pe_y], axis=-1)  # [B, S, 2*HALF]
    pe = jnp.where(mask[..., None], pe, jnp.zeros((), dtype=pe.dtype))
    return pe

if __name__ == "__main__":
    import jax
    _d = setup_inputs()
    print(jax.jit(kernel)(*tuple(_d.values())))

</pallas_src>

<mosaic_0001>
#map = affine_map<(d0, d1) -> (0, 0, 0)>
#map1 = affine_map<(d0, d1) -> (0, 0)>
module attributes {stable_mosaic.version = 14 : i64} {
  func.func @_body(%arg0: i32, %arg1: i32, %arg2: memref<32x100x64xi32, #tpu.memory_space<hbm>>, %arg3: memref<34x256xf32, #tpu.memory_space<hbm>>, %arg4: memref<22x256xf32, #tpu.memory_space<hbm>>, %arg5: memref<204800x512xf32, #tpu.memory_space<hbm>>, %arg6: memref<2x768x512xf32, #tpu.memory_space<hbm>>, %arg7: memref<48xi32, #tpu.memory_space<vmem>>, %arg8: memref<48xi32, #tpu.memory_space<vmem>>, %arg9: memref<48x256xf32, #tpu.memory_space<vmem>>, %arg10: memref<100x64xi32, #tpu.memory_space<vmem>>, %arg11: memref<64x512xf32, #tpu.memory_space<vmem>>, %arg12: memref<64x512xf32, #tpu.memory_space<vmem>>, %arg13: memref<!tpu.dma_semaphore, #tpu.memory_space<semaphore_mem>>, %arg14: memref<!tpu.dma_semaphore, #tpu.memory_space<semaphore_mem>>, %arg15: memref<!tpu.dma_semaphore, #tpu.memory_space<semaphore_mem>>, %arg16: memref<!tpu.dma_semaphore, #tpu.memory_space<semaphore_mem>>, %arg17: memref<!tpu.dma_semaphore, #tpu.memory_space<semaphore_mem>>) attributes {dimension_semantics = [#tpu.dimension_semantics<core_parallel>, #tpu.dimension_semantics<subcore_parallel>], iteration_bounds = array<i64: 2, 16>, scalar_prefetch = 0 : i64, scratch_operands = 11 : i64, tpu.core_type = #tpu.core_type<sc_vector_subcore>, window_params = [{transform_indices = #map}, {transform_indices = #map1}, {transform_indices = #map1}, {transform_indices = #map1}, {transform_indices = #map}]} {
    %mul3A = arith.constant 2 : i32
    %mul3A_0 = arith.muli %arg1, %mul3A : i32
    %add3A = arith.addi %mul3A_0, %arg0 : i32
    %mul3A_1 = arith.constant 48 : i32
    %mul3A_2 = arith.muli %arg1, %mul3A_1 : i32
    %add3A_3 = arith.constant 0 : i32
    %add3A_4 = arith.addi %mul3A_2, %add3A_3 : i32
    %iota3A = tpu.iota {dimensions = array<i32: 0>} : vector<16xi32>
    %add3A_5 = vector.broadcast %add3A_4 : i32 to vector<16xi32>
    %add3A_6 = arith.addi %add3A_5, %iota3A : vector<16xi32>
    %sub3A = arith.constant 2 : i32
    %sub3A_7 = vector.broadcast %sub3A : i32 to vector<16xi32>
    %sub3A_8 = arith.subi %add3A_6, %sub3A_7 : vector<16xi32>
    %ge3A = arith.constant 2 : i32
    %ge3A_9 = vector.broadcast %ge3A : i32 to vector<16xi32>
    %ge3A_10 = arith.cmpi sge, %add3A_6, %ge3A_9 : vector<16xi32>
    %lt3A = arith.constant 644 : i32
    %lt3A_11 = vector.broadcast %lt3A : i32 to vector<16xi32>
    %lt3A_12 = arith.cmpi slt, %add3A_6, %lt3A_11 : vector<16xi32>
    %and3A = arith.andi %ge3A_10, %lt3A_12 : vector<16xi1>
    %and3A_13 = arith.constant 31 : i32
    %and3A_14 = vector.broadcast %and3A_13 : i32 to vector<16xi32>
    %and3A_15 = arith.andi %sub3A_8, %and3A_14 : vector<16xi32>
    %jit3A = arith.constant 32 : i32
    %broadcast_in_dim3A = vector.broadcast %jit3A : i32 to vector<16xi32>
    %select_n3A = arith.select %and3A, %and3A_15, %broadcast_in_dim3A : vector<16xi1>, vector<16xi32>
    %swap3A = arith.constant 0 : index
    %swap3A_16 = tpu.vector_load %arg7[%swap3A] {strides = array<i32>} : memref<48xi32, #tpu.memory_space<vmem>>, vector<16xi32>,
    %swap3A_17 = vector.shape_cast %swap3A_16 : vector<16xi32> to vector<16xi32>
    %swap3A_18 = vector.shape_cast %select_n3A : vector<16xi32> to vector<16xi32>
    tpu.vector_store %arg7[%swap3A], %swap3A_18 {strides = array<i32>} : memref<48xi32, #tpu.memory_space<vmem>>, vector<16xi32>,
    %shift_right_arithmetic3A = arith.constant 5 : i32
    %shift_right_arithmetic3A_19 = vector.broadcast %shift_right_arithmetic3A : i32 to vector<16xi32>
    %shift_right_arithmetic3A_20 = arith.shrsi %sub3A_8, %shift_right_arithmetic3A_19 : vector<16xi32>
    %jit3A_21 = arith.constant 20 : i32
    %broadcast_in_dim3A_22 = vector.broadcast %jit3A_21 : i32 to vector<16xi32>
    %select_n3A_23 = arith.select %and3A, %shift_right_arithmetic3A_20, %broadcast_in_dim3A_22 : vector<16xi1>, vector<16xi32>
    %swap3A_24 = arith.constant 0 : index
    %swap3A_25 = tpu.vector_load %arg8[%swap3A_24] {strides = array<i32>} : memref<48xi32, #tpu.memory_space<vmem>>, vector<16xi32>,
    %swap3A_26 = vector.shape_cast %swap3A_25 : vector<16xi32> to vector<16xi32>
    %swap3A_27 = vector.shape_cast %select_n3A_23 : vector<16xi32> to vector<16xi32>
    tpu.vector_store %arg8[%swap3A_24], %swap3A_27 {strides = array<i32>} : memref<48xi32, #tpu.memory_space<vmem>>, vector<16xi32>,
    %add3A_28 = arith.constant 16 : i32
    %add3A_29 = arith.addi %mul3A_2, %add3A_28 : i32
    %iota3A_30 = tpu.iota {dimensions = array<i32: 0>} : vector<16xi32>
    %add3A_31 = vector.broadcast %add3A_29 : i32 to vector<16xi32>
    %add3A_32 = arith.addi %add3A_31, %iota3A_30 : vector<16xi32>
    %sub3A_33 = arith.constant 2 : i32
    %sub3A_34 = vector.broadcast %sub3A_33 : i32 to vector<16xi32>
    %sub3A_35 = arith.subi %add3A_32, %sub3A_34 : vector<16xi32>
    %ge3A_36 = arith.constant 2 : i32
    %ge3A_37 = vector.broadcast %ge3A_36 : i32 to vector<16xi32>
    %ge3A_38 = arith.cmpi sge, %add3A_32, %ge3A_37 : vector<16xi32>
    %lt3A_39 = arith.constant 644 : i32
    %lt3A_40 = vector.broadcast %lt3A_39 : i32 to vector<16xi32>
    %lt3A_41 = arith.cmpi slt, %add3A_32, %lt3A_40 : vector<16xi32>
    %and3A_42 = arith.andi %ge3A_38, %lt3A_41 : vector<16xi1>
    %and3A_43 = arith.constant 31 : i32
    %and3A_44 = vector.broadcast %and3A_43 : i32 to vector<16xi32>
    %and3A_45 = arith.andi %sub3A_35, %and3A_44 : vector<16xi32>
    %jit3A_46 = arith.constant 32 : i32
    %broadcast_in_dim3A_47 = vector.broadcast %jit3A_46 : i32 to vector<16xi32>
    %select_n3A_48 = arith.select %and3A_42, %and3A_45, %broadcast_in_dim3A_47 : vector<16xi1>, vector<16xi32>
    %swap3A_49 = arith.constant 16 : index
    %swap3A_50 = tpu.vector_load %arg7[%swap3A_49] {strides = array<i32>} : memref<48xi32, #tpu.memory_space<vmem>>, vector<16xi32>,
    %swap3A_51 = vector.shape_cast %swap3A_50 : vector<16xi32> to vector<16xi32>
    %swap3A_52 = vector.shape_cast %select_n3A_48 : vector<16xi32> to vector<16xi32>
    tpu.vector_store %arg7[%swap3A_49], %swap3A_52 {strides = array<i32>} : memref<48xi32, #tpu.memory_space<vmem>>, vector<16xi32>,
    %shift_right_arithmetic3A_53 = arith.constant 5 : i32
    %shift_right_arithmetic3A_54 = vector.broadcast %shift_right_arithmetic3A_53 : i32 to vector<16xi32>
    %shift_right_arithmetic3A_55 = arith.shrsi %sub3A_35, %shift_right_arithmetic3A_54 : vector<16xi32>
    %jit3A_56 = arith.constant 20 : i32
    %broadcast_in_dim3A_57 = vector.broadcast %jit3A_56 : i32 to vector<16xi32>
    %select_n3A_58 = arith.select %and3A_42, %shift_right_arithmetic3A_55, %broadcast_in_dim3A_57 : vector<16xi1>, vector<16xi32>
    %swap3A_59 = arith.constant 16 : index
    %swap3A_60 = tpu.vector_load %arg8[%swap3A_59] {strides = array<i32>} : memref<48xi32, #tpu.memory_space<vmem>>, vector<16xi32>,
    %swap3A_61 = vector.shape_cast %swap3A_60 : vector<16xi32> to vector<16xi32>
    %swap3A_62 = vector.shape_cast %select_n3A_58 : vector<16xi32> to vector<16xi32>
    tpu.vector_store %arg8[%swap3A_59], %swap3A_62 {strides = array<i32>} : memref<48xi32, #tpu.memory_space<vmem>>, vector<16xi32>,
    %add3A_63 = arith.constant 32 : i32
    %add3A_64 = arith.addi %mul3A_2, %add3A_63 : i32
    %iota3A_65 = tpu.iota {dimensions = array<i32: 0>} : vector<16xi32>
    %add3A_66 = vector.broadcast %add3A_64 : i32 to vector<16xi32>
    %add3A_67 = arith.addi %add3A_66, %iota3A_65 : vector<16xi32>
    %sub3A_68 = arith.constant 2 : i32
    %sub3A_69 = vector.broadcast %sub3A_68 : i32 to vector<16xi32>
    %sub3A_70 = arith.subi %add3A_67, %sub3A_69 : vector<16xi32>
    %ge3A_71 = arith.constant 2 : i32
    %ge3A_72 = vector.broadcast %ge3A_71 : i32 to vector<16xi32>
    %ge3A_73 = arith.cmpi sge, %add3A_67, %ge3A_72 : vector<16xi32>
    %lt3A_74 = arith.constant 644 : i32
    %lt3A_75 = vector.broadcast %lt3A_74 : i32 to vector<16xi32>
    %lt3A_76 = arith.cmpi slt, %add3A_67, %lt3A_75 : vector<16xi32>
    %and3A_77 = arith.andi %ge3A_73, %lt3A_76 : vector<16xi1>
    %and3A_78 = arith.constant 31 : i32
    %and3A_79 = vector.broadcast %and3A_78 : i32 to vector<16xi32>
    %and3A_80 = arith.andi %sub3A_70, %and3A_79 : vector<16xi32>
    %jit3A_81 = arith.constant 32 : i32
    %broadcast_in_dim3A_82 = vector.broadcast %jit3A_81 : i32 to vector<16xi32>
    %select_n3A_83 = arith.select %and3A_77, %and3A_80, %broadcast_in_dim3A_82 : vector<16xi1>, vector<16xi32>
    %swap3A_84 = arith.constant 32 : index
    %swap3A_85 = tpu.vector_load %arg7[%swap3A_84] {strides = array<i32>} : memref<48xi32, #tpu.memory_space<vmem>>, vector<16xi32>,
    %swap3A_86 = vector.shape_cast %swap3A_85 : vector<16xi32> to vector<16xi32>
    %swap3A_87 = vector.shape_cast %select_n3A_83 : vector<16xi32> to vector<16xi32>
    tpu.vector_store %arg7[%swap3A_84], %swap3A_87 {strides = array<i32>} : memref<48xi32, #tpu.memory_space<vmem>>, vector<16xi32>,
    %shift_right_arithmetic3A_88 = arith.constant 5 : i32
    %shift_right_arithmetic3A_89 = vector.broadcast %shift_right_arithmetic3A_88 : i32 to vector<16xi32>
    %shift_right_arithmetic3A_90 = arith.shrsi %sub3A_70, %shift_right_arithmetic3A_89 : vector<16xi32>
    %jit3A_91 = arith.constant 20 : i32
    %broadcast_in_dim3A_92 = vector.broadcast %jit3A_91 : i32 to vector<16xi32>
    %select_n3A_93 = arith.select %and3A_77, %shift_right_arithmetic3A_90, %broadcast_in_dim3A_92 : vector<16xi1>, vector<16xi32>
    %swap3A_94 = arith.constant 32 : index
    %swap3A_95 = tpu.vector_load %arg8[%swap3A_94] {strides = array<i32>} : memref<48xi32, #tpu.memory_space<vmem>>, vector<16xi32>,
    %swap3A_96 = vector.shape_cast %swap3A_95 : vector<16xi32> to vector<16xi32>
    %swap3A_97 = vector.shape_cast %select_n3A_93 : vector<16xi32> to vector<16xi32>
    tpu.vector_store %arg8[%swap3A_94], %swap3A_97 {strides = array<i32>} : memref<48xi32, #tpu.memory_space<vmem>>, vector<16xi32>,
    %dma_start3A = arith.constant 0 : i32
    %dma_start3A_98 = arith.constant 0 : i32
    %dma_start3A_99 = tpu.memref_slice %arg3[%dma_start3A, %dma_start3A_98] : memref<34x256xf32, #tpu.memory_space<hbm>> -> memref<34x256xf32, #tpu.memory_space<hbm>>
    tpu.enqueue_indirect_dma source(%dma_start3A_99 : memref<34x256xf32, #tpu.memory_space<hbm>>) target(%arg9 : memref<48x256xf32, #tpu.memory_space<vmem>>) offsets(%arg7 : memref<48xi32, #tpu.memory_space<vmem>>) semaphore(%arg17 : memref<!tpu.dma_semaphore, #tpu.memory_space<semaphore_mem>>)
    %dma_wait3A = arith.constant 0 : i32
    %dma_wait3A_100 = arith.constant 0 : i32
    %dma_wait3A_101 = tpu.memref_slice %arg3[%dma_wait3A, %dma_wait3A_100] : memref<34x256xf32, #tpu.memory_space<hbm>> -> memref<34x256xf32, #tpu.memory_space<hbm>>
    tpu.wait_indirect_dma semaphore(%arg17 : memref<!tpu.dma_semaphore, #tpu.memory_space<semaphore_mem>>) src(%dma_wait3A_101 : memref<34x256xf32, #tpu.memory_space<hbm>>) dst(%arg9 : memref<48x256xf32, #tpu.memory_space<vmem>>)
    "tpu.region"() ({
      %run_scoped3A = tpu.sem_alloc : memref<!tpu.dma_semaphore, #tpu.memory_space<semaphore_mem>>
      %dma_start3A_178 = arith.constant 0 : i32
      %dma_start3A_179 = arith.constant 0 : i32
      %dma_start3A_180 = tpu.memref_slice %arg6[%arg0, %dma_start3A_178, %dma_start3A_179] : memref<2x768x512xf32, #tpu.memory_space<hbm>> -> memref<1x768x512xf32, #tpu.memory_space<hbm>>
      %dma_start3A_181 = tpu.memref_squeeze %dma_start3A_180 : memref<1x768x512xf32, #tpu.memory_space<hbm>> -> memref<768x512xf32, #tpu.memory_space<hbm>>
      %dma_start3A_182 = arith.constant 0 : i32
      %dma_start3A_183 = tpu.memref_slice %dma_start3A_181[%mul3A_2, %dma_start3A_182] : memref<768x512xf32, #tpu.memory_space<hbm>> -> memref<48x256xf32, #tpu.memory_space<hbm>>
      %dma_start3A_184 = arith.constant 0 : i32
      %dma_start3A_185 = arith.constant 0 : i32
      %dma_start3A_186 = tpu.memref_slice %arg6[%arg0, %dma_start3A_184, %dma_start3A_185] : memref<2x768x512xf32, #tpu.memory_space<hbm>> -> memref<1x768x512xf32, #tpu.memory_space<hbm>>
      %dma_start3A_187 = tpu.memref_squeeze %dma_start3A_186 : memref<1x768x512xf32, #tpu.memory_space<hbm>> -> memref<768x512xf32, #tpu.memory_space<hbm>>
      %dma_start3A_188 = arith.constant 0 : i32
      %dma_start3A_189 = tpu.memref_slice %dma_start3A_187[%mul3A_2, %dma_start3A_188] : memref<768x512xf32, #tpu.memory_space<hbm>> -> memref<48x256xf32, #tpu.memory_space<hbm>>
      tpu.enqueue_dma source(%arg9 : memref<48x256xf32, #tpu.memory_space<vmem>>) target(%dma_start3A_189 : memref<48x256xf32, #tpu.memory_space<hbm>>) target_semaphore(%run_scoped3A : memref<!tpu.dma_semaphore, #tpu.memory_space<semaphore_mem>>)
      %dma_wait3A_190 = arith.constant 0 : i32
      %dma_wait3A_191 = arith.constant 0 : i32
      %dma_wait3A_192 = tpu.memref_slice %arg6[%arg0, %dma_wait3A_190, %dma_wait3A_191] : memref<2x768x512xf32, #tpu.memory_space<hbm>> -> memref<1x768x512xf32, #tpu.memory_space<hbm>>
      %dma_wait3A_193 = tpu.memref_squeeze %dma_wait3A_192 : memref<1x768x512xf32, #tpu.memory_space<hbm>> -> memref<768x512xf32, #tpu.memory_space<hbm>>
      %dma_wait3A_194 = arith.constant 0 : i32
      %dma_wait3A_195 = tpu.memref_slice %dma_wait3A_193[%mul3A_2, %dma_wait3A_194] : memref<768x512xf32, #tpu.memory_space<hbm>> -> memref<48x256xf32, #tpu.memory_space<hbm>>
      %dma_wait3A_196 = arith.constant 0 : i32
      %dma_wait3A_197 = arith.constant 0 : i32
      %dma_wait3A_198 = tpu.memref_slice %arg6[%arg0, %dma_wait3A_196, %dma_wait3A_197] : memref<2x768x512xf32, #tpu.memory_space<hbm>> -> memref<1x768x512xf32, #tpu.memory_space<hbm>>
      %dma_wait3A_199 = tpu.memref_squeeze %dma_wait3A_198 : memref<1x768x512xf32, #tpu.memory_space<hbm>> -> memref<768x512xf32, #tpu.memory_space<hbm>>
      %dma_wait3A_200 = arith.constant 0 : i32
      %dma_wait3A_201 = tpu.memref_slice %dma_wait3A_199[%mul3A_2, %dma_wait3A_200] : memref<768x512xf32, #tpu.memory_space<hbm>> -> memref<48x256xf32, #tpu.memory_space<hbm>>
      tpu.wait_dma2 semaphore(%run_scoped3A : memref<!tpu.dma_semaphore, #tpu.memory_space<semaphore_mem>>) src(%arg9 : memref<48x256xf32, #tpu.memory_space<vmem>>) dst(%dma_wait3A_201 : memref<48x256xf32, #tpu.memory_space<hbm>>)
      tpu.yield
    }) : () -> ()
    %dma_start3A_102 = arith.constant 0 : i32
    %dma_start3A_103 = arith.constant 0 : i32
    %dma_start3A_104 = tpu.memref_slice %arg4[%dma_start3A_102, %dma_start3A_103] : memref<22x256xf32, #tpu.memory_space<hbm>> -> memref<22x256xf32, #tpu.memory_space<hbm>>
    tpu.enqueue_indirect_dma source(%dma_start3A_104 : memref<22x256xf32, #tpu.memory_space<hbm>>) target(%arg9 : memref<48x256xf32, #tpu.memory_space<vmem>>) offsets(%arg8 : memref<48xi32, #tpu.memory_space<vmem>>) semaphore(%arg17 : memref<!tpu.dma_semaphore, #tpu.memory_space<semaphore_mem>>)
    %dma_wait3A_105 = arith.constant 0 : i32
    %dma_wait3A_106 = arith.constant 0 : i32
    %dma_wait3A_107 = tpu.memref_slice %arg4[%dma_wait3A_105, %dma_wait3A_106] : memref<22x256xf32, #tpu.memory_space<hbm>> -> memref<22x256xf32, #tpu.memory_space<hbm>>
    tpu.wait_indirect_dma semaphore(%arg17 : memref<!tpu.dma_semaphore, #tpu.memory_space<semaphore_mem>>) src(%dma_wait3A_107 : memref<22x256xf32, #tpu.memory_space<hbm>>) dst(%arg9 : memref<48x256xf32, #tpu.memory_space<vmem>>)
    "tpu.region"() ({
      %run_scoped3A = tpu.sem_alloc : memref<!tpu.dma_semaphore, #tpu.memory_space<semaphore_mem>>
      %dma_start3A_178 = arith.constant 0 : i32
      %dma_start3A_179 = arith.constant 0 : i32
      %dma_start3A_180 = tpu.memref_slice %arg6[%arg0, %dma_start3A_178, %dma_start3A_179] : memref<2x768x512xf32, #tpu.memory_space<hbm>> -> memref<1x768x512xf32, #tpu.memory_space<hbm>>
      %dma_start3A_181 = tpu.memref_squeeze %dma_start3A_180 : memref<1x768x512xf32, #tpu.memory_space<hbm>> -> memref<768x512xf32, #tpu.memory_space<hbm>>
      %dma_start3A_182 = arith.constant 256 : i32
      %dma_start3A_183 = tpu.memref_slice %dma_start3A_181[%mul3A_2, %dma_start3A_182] : memref<768x512xf32, #tpu.memory_space<hbm>> -> memref<48x256xf32, #tpu.memory_space<hbm>>
      %dma_start3A_184 = arith.constant 0 : i32
      %dma_start3A_185 = arith.constant 0 : i32
      %dma_start3A_186 = tpu.memref_slice %arg6[%arg0, %dma_start3A_184, %dma_start3A_185] : memref<2x768x512xf32, #tpu.memory_space<hbm>> -> memref<1x768x512xf32, #tpu.memory_space<hbm>>
      %dma_start3A_187 = tpu.memref_squeeze %dma_start3A_186 : memref<1x768x512xf32, #tpu.memory_space<hbm>> -> memref<768x512xf32, #tpu.memory_space<hbm>>
      %dma_start3A_188 = arith.constant 256 : i32
      %dma_start3A_189 = tpu.memref_slice %dma_start3A_187[%mul3A_2, %dma_start3A_188] : memref<768x512xf32, #tpu.memory_space<hbm>> -> memref<48x256xf32, #tpu.memory_space<hbm>>
      tpu.enqueue_dma source(%arg9 : memref<48x256xf32, #tpu.memory_space<vmem>>) target(%dma_start3A_189 : memref<48x256xf32, #tpu.memory_space<hbm>>) target_semaphore(%run_scoped3A : memref<!tpu.dma_semaphore, #tpu.memory_space<semaphore_mem>>)
      %dma_wait3A_190 = arith.constant 0 : i32
      %dma_wait3A_191 = arith.constant 0 : i32
      %dma_wait3A_192 = tpu.memref_slice %arg6[%arg0, %dma_wait3A_190, %dma_wait3A_191] : memref<2x768x512xf32, #tpu.memory_space<hbm>> -> memref<1x768x512xf32, #tpu.memory_space<hbm>>
      %dma_wait3A_193 = tpu.memref_squeeze %dma_wait3A_192 : memref<1x768x512xf32, #tpu.memory_space<hbm>> -> memref<768x512xf32, #tpu.memory_space<hbm>>
      %dma_wait3A_194 = arith.constant 256 : i32
      %dma_wait3A_195 = tpu.memref_slice %dma_wait3A_193[%mul3A_2, %dma_wait3A_194] : memref<768x512xf32, #tpu.memory_space<hbm>> -> memref<48x256xf32, #tpu.memory_space<hbm>>
      %dma_wait3A_196 = arith.constant 0 : i32
      %dma_wait3A_197 = arith.constant 0 : i32
      %dma_wait3A_198 = tpu.memref_slice %arg6[%arg0, %dma_wait3A_196, %dma_wait3A_197] : memref<2x768x512xf32, #tpu.memory_space<hbm>> -> memref<1x768x512xf32, #tpu.memory_space<hbm>>
      %dma_wait3A_199 = tpu.memref_squeeze %dma_wait3A_198 : memref<1x768x512xf32, #tpu.memory_space<hbm>> -> memref<768x512xf32, #tpu.memory_space<hbm>>
      %dma_wait3A_200 = arith.constant 256 : i32
      %dma_wait3A_201 = tpu.memref_slice %dma_wait3A_199[%mul3A_2, %dma_wait3A_200] : memref<768x512xf32, #tpu.memory_space<hbm>> -> memref<48x256xf32, #tpu.memory_space<hbm>>
      tpu.wait_dma2 semaphore(%run_scoped3A : memref<!tpu.dma_semaphore, #tpu.memory_space<semaphore_mem>>) src(%arg9 : memref<48x256xf32, #tpu.memory_space<vmem>>) dst(%dma_wait3A_201 : memref<48x256xf32, #tpu.memory_space<hbm>>)
      tpu.yield
    }) : () -> ()
    %barrier3A = arith.constant 0 : index
    tpu.barrier barrier_id(%barrier3A)
    %mul3A_108 = arith.constant 6400 : i32
    %mul3A_109 = arith.muli %add3A, %mul3A_108 : i32
    "tpu.region"() ({
      %run_scoped3A = tpu.sem_alloc : memref<!tpu.dma_semaphore, #tpu.memory_space<semaphore_mem>>
      %dma_start3A_178 = arith.constant 0 : i32
      %dma_start3A_179 = arith.constant 0 : i32
      %dma_start3A_180 = tpu.memref_slice %arg2[%add3A, %dma_start3A_178, %dma_start3A_179] : memref<32x100x64xi32, #tpu.memory_space<hbm>> -> memref<1x100x64xi32, #tpu.memory_space<hbm>>
      %dma_start3A_181 = tpu.memref_squeeze %dma_start3A_180 : memref<1x100x64xi32, #tpu.memory_space<hbm>> -> memref<100x64xi32, #tpu.memory_space<hbm>>
      %dma_start3A_182 = arith.constant 0 : i32
      %dma_start3A_183 = arith.constant 0 : i32
      %dma_start3A_184 = tpu.memref_slice %arg2[%add3A, %dma_start3A_182, %dma_start3A_183] : memref<32x100x64xi32, #tpu.memory_space<hbm>> -> memref<1x100x64xi32, #tpu.memory_space<hbm>>
      %dma_start3A_185 = tpu.memref_squeeze %dma_start3A_184 : memref<1x100x64xi32, #tpu.memory_space<hbm>> -> memref<100x64xi32, #tpu.memory_space<hbm>>
      tpu.enqueue_dma source(%dma_start3A_185 : memref<100x64xi32, #tpu.memory_space<hbm>>) target(%arg10 : memref<100x64xi32, #tpu.memory_space<vmem>>) target_semaphore(%run_scoped3A : memref<!tpu.dma_semaphore, #tpu.memory_space<semaphore_mem>>)
      %dma_wait3A_186 = arith.constant 0 : i32
      %dma_wait3A_187 = arith.constant 0 : i32
      %dma_wait3A_188 = tpu.memref_slice %arg2[%add3A, %dma_wait3A_186, %dma_wait3A_187] : memref<32x100x64xi32, #tpu.memory_space<hbm>> -> memref<1x100x64xi32, #tpu.memory_space<hbm>>
      %dma_wait3A_189 = tpu.memref_squeeze %dma_wait3A_188 : memref<1x100x64xi32, #tpu.memory_space<hbm>> -> memref<100x64xi32, #tpu.memory_space<hbm>>
      %dma_wait3A_190 = arith.constant 0 : i32
      %dma_wait3A_191 = arith.constant 0 : i32
      %dma_wait3A_192 = tpu.memref_slice %arg2[%add3A, %dma_wait3A_190, %dma_wait3A_191] : memref<32x100x64xi32, #tpu.memory_space<hbm>> -> memref<1x100x64xi32, #tpu.memory_space<hbm>>
      %dma_wait3A_193 = tpu.memref_squeeze %dma_wait3A_192 : memref<1x100x64xi32, #tpu.memory_space<hbm>> -> memref<100x64xi32, #tpu.memory_space<hbm>>
      tpu.wait_dma2 semaphore(%run_scoped3A : memref<!tpu.dma_semaphore, #tpu.memory_space<semaphore_mem>>) src(%dma_wait3A_193 : memref<100x64xi32, #tpu.memory_space<hbm>>) dst(%arg10 : memref<100x64xi32, #tpu.memory_space<vmem>>)
      tpu.yield
    }) : () -> ()
    %dma_start3A_110 = arith.constant 0 : i32
    %dma_start3A_111 = arith.constant 0 : i32
    %dma_start3A_112 = tpu.memref_slice %arg10[%dma_start3A_110, %dma_start3A_111] : memref<100x64xi32, #tpu.memory_space<vmem>> -> memref<1x64xi32, #tpu.memory_space<vmem>>
    %dma_start3A_113 = tpu.memref_squeeze %dma_start3A_112 : memref<1x64xi32, #tpu.memory_space<vmem>> -> memref<64xi32, #tpu.memory_space<vmem>>
    %dma_start3A_114 = arith.constant 0 : i32
    %dma_start3A_115 = arith.constant 0 : i32
    %dma_start3A_116 = tpu.memref_slice %arg6[%arg0, %dma_start3A_114, %dma_start3A_115] : memref<2x768x512xf32, #tpu.memory_space<hbm>> -> memref<1x768x512xf32, #tpu.memory_space<hbm>>
    %dma_start3A_117 = tpu.memref_squeeze %dma_start3A_116 : memref<1x768x512xf32, #tpu.memory_space<hbm>> -> memref<768x512xf32, #tpu.memory_space<hbm>>
    %dma_start3A_118 = arith.constant 0 : i32
    %dma_start3A_119 = arith.constant 0 : i32
    %dma_start3A_120 = tpu.memref_slice %dma_start3A_117[%dma_start3A_118, %dma_start3A_119] : memref<768x512xf32, #tpu.memory_space<hbm>> -> memref<768x512xf32, #tpu.memory_space<hbm>>
    tpu.enqueue_indirect_dma source(%dma_start3A_120 : memref<768x512xf32, #tpu.memory_space<hbm>>) target(%arg11 : memref<64x512xf32, #tpu.memory_space<vmem>>) offsets(%dma_start3A_113 : memref<64xi32, #tpu.memory_space<vmem>>) semaphore(%arg13 : memref<!tpu.dma_semaphore, #tpu.memory_space<semaphore_mem>>)
    %dma_start3A_121 = arith.constant 1 : i32
    %dma_start3A_122 = arith.constant 0 : i32
    %dma_start3A_123 = tpu.memref_slice %arg10[%dma_start3A_121, %dma_start3A_122] : memref<100x64xi32, #tpu.memory_space<vmem>> -> memref<1x64xi32, #tpu.memory_space<vmem>>
    %dma_start3A_124 = tpu.memref_squeeze %dma_start3A_123 : memref<1x64xi32, #tpu.memory_space<vmem>> -> memref<64xi32, #tpu.memory_space<vmem>>
    %dma_start3A_125 = arith.constant 0 : i32
    %dma_start3A_126 = arith.constant 0 : i32
    %dma_start3A_127 = tpu.memref_slice %arg6[%arg0, %dma_start3A_125, %dma_start3A_126] : memref<2x768x512xf32, #tpu.memory_space<hbm>> -> memref<1x768x512xf32, #tpu.memory_space<hbm>>
    %dma_start3A_128 = tpu.memref_squeeze %dma_start3A_127 : memref<1x768x512xf32, #tpu.memory_space<hbm>> -> memref<768x512xf32, #tpu.memory_space<hbm>>
    %dma_start3A_129 = arith.constant 0 : i32
    %dma_start3A_130 = arith.constant 0 : i32
    %dma_start3A_131 = tpu.memref_slice %dma_start3A_128[%dma_start3A_129, %dma_start3A_130] : memref<768x512xf32, #tpu.memory_space<hbm>> -> memref<768x512xf32, #tpu.memory_space<hbm>>
    tpu.enqueue_indirect_dma source(%dma_start3A_131 : memref<768x512xf32, #tpu.memory_space<hbm>>) target(%arg12 : memref<64x512xf32, #tpu.memory_space<vmem>>) offsets(%dma_start3A_124 : memref<64xi32, #tpu.memory_space<vmem>>) semaphore(%arg14 : memref<!tpu.dma_semaphore, #tpu.memory_space<semaphore_mem>>)
    %scan3A = arith.constant 0 : i32
    %scan3A_132 = arith.constant 49 : i32
    %scan3A_133 = arith.addi %scan3A, %scan3A_132 : i32
    %scan3A_134 = arith.constant 1 : i32
    scf.for %scan3A_178 = %scan3A to %scan3A_133 step %scan3A_134  : i32 {
      %mul3A_179 = arith.constant 2 : i32
      %mul3A_180 = arith.muli %scan3A_178, %mul3A_179 : i32
      %add3A_181 = arith.constant 0 : i32
      %add3A_182 = arith.addi %add3A_181, %mul3A_180 : i32
      %dma_wait3A_183 = arith.constant 0 : i32
      %dma_wait3A_184 = arith.constant 0 : i32
      %dma_wait3A_185 = tpu.memref_slice %arg10[%dma_wait3A_183, %dma_wait3A_184] : memref<100x64xi32, #tpu.memory_space<vmem>> -> memref<1x64xi32, #tpu.memory_space<vmem>>
      %dma_wait3A_186 = tpu.memref_squeeze %dma_wait3A_185 : memref<1x64xi32, #tpu.memory_space<vmem>> -> memref<64xi32, #tpu.memory_space<vmem>>
      %dma_wait3A_187 = arith.constant 0 : i32
      %dma_wait3A_188 = arith.constant 0 : i32
      %dma_wait3A_189 = tpu.memref_slice %arg6[%arg0, %dma_wait3A_187, %dma_wait3A_188] : memref<2x768x512xf32, #tpu.memory_space<hbm>> -> memref<1x768x512xf32, #tpu.memory_space<hbm>>
      %dma_wait3A_190 = tpu.memref_squeeze %dma_wait3A_189 : memref<1x768x512xf32, #tpu.memory_space<hbm>> -> memref<768x512xf32, #tpu.memory_space<hbm>>
      %dma_wait3A_191 = arith.constant 0 : i32
      %dma_wait3A_192 = arith.constant 0 : i32
      %dma_wait3A_193 = tpu.memref_slice %dma_wait3A_190[%dma_wait3A_191, %dma_wait3A_192] : memref<768x512xf32, #tpu.memory_space<hbm>> -> memref<768x512xf32, #tpu.memory_space<hbm>>
      tpu.wait_indirect_dma semaphore(%arg13 : memref<!tpu.dma_semaphore, #tpu.memory_space<semaphore_mem>>) src(%dma_wait3A_193 : memref<768x512xf32, #tpu.memory_space<hbm>>) dst(%arg11 : memref<64x512xf32, #tpu.memory_space<vmem>>)
      %mul3A_194 = arith.constant 64 : i32
      %mul3A_195 = arith.muli %add3A_182, %mul3A_194 : i32
      %add3A_196 = arith.addi %mul3A_109, %mul3A_195 : i32
      %dma_start3A_197 = arith.constant 0 : i32
      %dma_start3A_198 = tpu.memref_slice %arg5[%add3A_196, %dma_start3A_197] : memref<204800x512xf32, #tpu.memory_space<hbm>> -> memref<64x512xf32, #tpu.memory_space<hbm>>
      %dma_start3A_199 = arith.constant 0 : i32
      %dma_start3A_200 = tpu.memref_slice %arg5[%add3A_196, %dma_start3A_199] : memref<204800x512xf32, #tpu.memory_space<hbm>> -> memref<64x512xf32, #tpu.memory_space<hbm>>
      tpu.enqueue_dma source(%arg11 : memref<64x512xf32, #tpu.memory_space<vmem>>) target(%dma_start3A_200 : memref<64x512xf32, #tpu.memory_space<hbm>>) target_semaphore(%arg15 : memref<!tpu.dma_semaphore, #tpu.memory_space<semaphore_mem>>)
      %dma_wait3A_201 = arith.constant 0 : i32
      %dma_wait3A_202 = arith.constant 0 : i32
      %dma_wait3A_203 = tpu.memref_slice %arg10[%dma_wait3A_201, %dma_wait3A_202] : memref<100x64xi32, #tpu.memory_space<vmem>> -> memref<1x64xi32, #tpu.memory_space<vmem>>
      %dma_wait3A_204 = tpu.memref_squeeze %dma_wait3A_203 : memref<1x64xi32, #tpu.memory_space<vmem>> -> memref<64xi32, #tpu.memory_space<vmem>>
      %dma_wait3A_205 = arith.constant 0 : i32
      %dma_wait3A_206 = arith.constant 0 : i32
      %dma_wait3A_207 = tpu.memref_slice %arg6[%arg0, %dma_wait3A_205, %dma_wait3A_206] : memref<2x768x512xf32, #tpu.memory_space<hbm>> -> memref<1x768x512xf32, #tpu.memory_space<hbm>>
      %dma_wait3A_208 = tpu.memref_squeeze %dma_wait3A_207 : memref<1x768x512xf32, #tpu.memory_space<hbm>> -> memref<768x512xf32, #tpu.memory_space<hbm>>
      %dma_wait3A_209 = arith.constant 0 : i32
      %dma_wait3A_210 = arith.constant 0 : i32
      %dma_wait3A_211 = tpu.memref_slice %dma_wait3A_208[%dma_wait3A_209, %dma_wait3A_210] : memref<768x512xf32, #tpu.memory_space<hbm>> -> memref<768x512xf32, #tpu.memory_space<hbm>>
      tpu.wait_indirect_dma semaphore(%arg14 : memref<!tpu.dma_semaphore, #tpu.memory_space<semaphore_mem>>) src(%dma_wait3A_211 : memref<768x512xf32, #tpu.memory_space<hbm>>) dst(%arg12 : memref<64x512xf32, #tpu.memory_space<vmem>>)
      %add3A_212 = arith.constant 1 : i32
      %add3A_213 = arith.addi %add3A_182, %add3A_212 : i32
      %mul3A_214 = arith.constant 64 : i32
      %mul3A_215 = arith.muli %add3A_213, %mul3A_214 : i32
      %add3A_216 = arith.addi %mul3A_109, %mul3A_215 : i32
      %dma_start3A_217 = arith.constant 0 : i32
      %dma_start3A_218 = tpu.memref_slice %arg5[%add3A_216, %dma_start3A_217] : memref<204800x512xf32, #tpu.memory_space<hbm>> -> memref<64x512xf32, #tpu.memory_space<hbm>>
      %dma_start3A_219 = arith.constant 0 : i32
      %dma_start3A_220 = tpu.memref_slice %arg5[%add3A_216, %dma_start3A_219] : memref<204800x512xf32, #tpu.memory_space<hbm>> -> memref<64x512xf32, #tpu.memory_space<hbm>>
      tpu.enqueue_dma source(%arg12 : memref<64x512xf32, #tpu.memory_space<vmem>>) target(%dma_start3A_220 : memref<64x512xf32, #tpu.memory_space<hbm>>) target_semaphore(%arg16 : memref<!tpu.dma_semaphore, #tpu.memory_space<semaphore_mem>>)
      %dma_wait3A_221 = arith.constant 0 : i32
      %dma_wait3A_222 = tpu.memref_slice %arg5[%mul3A_109, %dma_wait3A_221] : memref<204800x512xf32, #tpu.memory_space<hbm>> -> memref<64x512xf32, #tpu.memory_space<hbm>>
      %dma_wait3A_223 = arith.constant 0 : i32
      %dma_wait3A_224 = tpu.memref_slice %arg5[%mul3A_109, %dma_wait3A_223] : memref<204800x512xf32, #tpu.memory_space<hbm>> -> memref<64x512xf32, #tpu.memory_space<hbm>>
      tpu.wait_dma2 semaphore(%arg15 : memref<!tpu.dma_semaphore, #tpu.memory_space<semaphore_mem>>) src(%arg11 : memref<64x512xf32, #tpu.memory_space<vmem>>) dst(%dma_wait3A_224 : memref<64x512xf32, #tpu.memory_space<hbm>>)
      %add3A_225 = arith.constant 2 : i32
      %add3A_226 = arith.addi %add3A_182, %add3A_225 : i32
      %dma_start3A_227 = arith.constant 0 : i32
      %dma_start3A_228 = tpu.memref_slice %arg10[%add3A_226, %dma_start3A_227] : memref<100x64xi32, #tpu.memory_space<vmem>> -> memref<1x64xi32, #tpu.memory_space<vmem>>
      %dma_start3A_229 = tpu.memref_squeeze %dma_start3A_228 : memref<1x64xi32, #tpu.memory_space<vmem>> -> memref<64xi32, #tpu.memory_space<vmem>>
      %dma_start3A_230 = arith.constant 0 : i32
      %dma_start3A_231 = arith.constant 0 : i32
      %dma_start3A_232 = tpu.memref_slice %arg6[%arg0, %dma_start3A_230, %dma_start3A_231] : memref<2x768x512xf32, #tpu.memory_space<hbm>> -> memref<1x768x512xf32, #tpu.memory_space<hbm>>
      %dma_start3A_233 = tpu.memref_squeeze %dma_start3A_232 : memref<1x768x512xf32, #tpu.memory_space<hbm>> -> memref<768x512xf32, #tpu.memory_space<hbm>>
      %dma_start3A_234 = arith.constant 0 : i32
      %dma_start3A_235 = arith.constant 0 : i32
      %dma_start3A_236 = tpu.memref_slice %dma_start3A_233[%dma_start3A_234, %dma_start3A_235] : memref<768x512xf32, #tpu.memory_space<hbm>> -> memref<768x512xf32, #tpu.memory_space<hbm>>
      tpu.enqueue_indirect_dma source(%dma_start3A_236 : memref<768x512xf32, #tpu.memory_space<hbm>>) target(%arg11 : memref<64x512xf32, #tpu.memory_space<vmem>>) offsets(%dma_start3A_229 : memref<64xi32, #tpu.memory_space<vmem>>) semaphore(%arg13 : memref<!tpu.dma_semaphore, #tpu.memory_space<semaphore_mem>>)
      %dma_wait3A_237 = arith.constant 0 : i32
      %dma_wait3A_238 = tpu.memref_slice %arg5[%mul3A_109, %dma_wait3A_237] : memref<204800x512xf32, #tpu.memory_space<hbm>> -> memref<64x512xf32, #tpu.memory_space<hbm>>
      %dma_wait3A_239 = arith.constant 0 : i32
      %dma_wait3A_240 = tpu.memref_slice %arg5[%mul3A_109, %dma_wait3A_239] : memref<204800x512xf32, #tpu.memory_space<hbm>> -> memref<64x512xf32, #tpu.memory_space<hbm>>
      tpu.wait_dma2 semaphore(%arg16 : memref<!tpu.dma_semaphore, #tpu.memory_space<semaphore_mem>>) src(%arg12 : memref<64x512xf32, #tpu.memory_space<vmem>>) dst(%dma_wait3A_240 : memref<64x512xf32, #tpu.memory_space<hbm>>)
      %add3A_241 = arith.constant 3 : i32
      %add3A_242 = arith.addi %add3A_182, %add3A_241 : i32
      %dma_start3A_243 = arith.constant 0 : i32
      %dma_start3A_244 = tpu.memref_slice %arg10[%add3A_242, %dma_start3A_243] : memref<100x64xi32, #tpu.memory_space<vmem>> -> memref<1x64xi32, #tpu.memory_space<vmem>>
      %dma_start3A_245 = tpu.memref_squeeze %dma_start3A_244 : memref<1x64xi32, #tpu.memory_space<vmem>> -> memref<64xi32, #tpu.memory_space<vmem>>
      %dma_start3A_246 = arith.constant 0 : i32
      %dma_start3A_247 = arith.constant 0 : i32
      %dma_start3A_248 = tpu.memref_slice %arg6[%arg0, %dma_start3A_246, %dma_start3A_247] : memref<2x768x512xf32, #tpu.memory_space<hbm>> -> memref<1x768x512xf32, #tpu.memory_space<hbm>>
      %dma_start3A_249 = tpu.memref_squeeze %dma_start3A_248 : memref<1x768x512xf32, #tpu.memory_space<hbm>> -> memref<768x512xf32, #tpu.memory_space<hbm>>
      %dma_start3A_250 = arith.constant 0 : i32
      %dma_start3A_251 = arith.constant 0 : i32
      %dma_start3A_252 = tpu.memref_slice %dma_start3A_249[%dma_start3A_250, %dma_start3A_251] : memref<768x512xf32, #tpu.memory_space<hbm>> -> memref<768x512xf32, #tpu.memory_space<hbm>>
      tpu.enqueue_indirect_dma source(%dma_start3A_252 : memref<768x512xf32, #tpu.memory_space<hbm>>) target(%arg12 : memref<64x512xf32, #tpu.memory_space<vmem>>) offsets(%dma_start3A_245 : memref<64xi32, #tpu.memory_space<vmem>>) semaphore(%arg14 : memref<!tpu.dma_semaphore, #tpu.memory_space<semaphore_mem>>)
    }
    %scan3A_135 = arith.constant 49 : i32
    %dma_wait3A_136 = arith.constant 0 : i32
    %dma_wait3A_137 = arith.constant 0 : i32
    %dma_wait3A_138 = tpu.memref_slice %arg10[%dma_wait3A_136, %dma_wait3A_137] : memref<100x64xi32, #tpu.memory_space<vmem>> -> memref<1x64xi32, #tpu.memory_space<vmem>>
    %dma_wait3A_139 = tpu.memref_squeeze %dma_wait3A_138 : memref<1x64xi32, #tpu.memory_space<vmem>> -> memref<64xi32, #tpu.memory_space<vmem>>
    %dma_wait3A_140 = arith.constant 0 : i32
    %dma_wait3A_141 = arith.constant 0 : i32
    %dma_wait3A_142 = tpu.memref_slice %arg6[%arg0, %dma_wait3A_140, %dma_wait3A_141] : memref<2x768x512xf32, #tpu.memory_space<hbm>> -> memref<1x768x512xf32, #tpu.memory_space<hbm>>
    %dma_wait3A_143 = tpu.memref_squeeze %dma_wait3A_142 : memref<1x768x512xf32, #tpu.memory_space<hbm>> -> memref<768x512xf32, #tpu.memory_space<hbm>>
    %dma_wait3A_144 = arith.constant 0 : i32
    %dma_wait3A_145 = arith.constant 0 : i32
    %dma_wait3A_146 = tpu.memref_slice %dma_wait3A_143[%dma_wait3A_144, %dma_wait3A_145] : memref<768x512xf32, #tpu.memory_space<hbm>> -> memref<768x512xf32, #tpu.memory_space<hbm>>
    tpu.wait_indirect_dma semaphore(%arg13 : memref<!tpu.dma_semaphore, #tpu.memory_space<semaphore_mem>>) src(%dma_wait3A_146 : memref<768x512xf32, #tpu.memory_space<hbm>>) dst(%arg11 : memref<64x512xf32, #tpu.memory_space<vmem>>)
    %add3A_147 = arith.constant 6272 : i32
    %add3A_148 = arith.addi %mul3A_109, %add3A_147 : i32
    %dma_start3A_149 = arith.constant 0 : i32
    %dma_start3A_150 = tpu.memref_slice %arg5[%add3A_148, %dma_start3A_149] : memref<204800x512xf32, #tpu.memory_space<hbm>> -> memref<64x512xf32, #tpu.memory_space<hbm>>
    %dma_start3A_151 = arith.constant 0 : i32
    %dma_start3A_152 = tpu.memref_slice %arg5[%add3A_148, %dma_start3A_151] : memref<204800x512xf32, #tpu.memory_space<hbm>> -> memref<64x512xf32, #tpu.memory_space<hbm>>
    tpu.enqueue_dma source(%arg11 : memref<64x512xf32, #tpu.memory_space<vmem>>) target(%dma_start3A_152 : memref<64x512xf32, #tpu.memory_space<hbm>>) target_semaphore(%arg15 : memref<!tpu.dma_semaphore, #tpu.memory_space<semaphore_mem>>)
    %dma_wait3A_153 = arith.constant 0 : i32
    %dma_wait3A_154 = arith.constant 0 : i32
    %dma_wait3A_155 = tpu.memref_slice %arg10[%dma_wait3A_153, %dma_wait3A_154] : memref<100x64xi32, #tpu.memory_space<vmem>> -> memref<1x64xi32, #tpu.memory_space<vmem>>
    %dma_wait3A_156 = tpu.memref_squeeze %dma_wait3A_155 : memref<1x64xi32, #tpu.memory_space<vmem>> -> memref<64xi32, #tpu.memory_space<vmem>>
    %dma_wait3A_157 = arith.constant 0 : i32
    %dma_wait3A_158 = arith.constant 0 : i32
    %dma_wait3A_159 = tpu.memref_slice %arg6[%arg0, %dma_wait3A_157, %dma_wait3A_158] : memref<2x768x512xf32, #tpu.memory_space<hbm>> -> memref<1x768x512xf32, #tpu.memory_space<hbm>>
    %dma_wait3A_160 = tpu.memref_squeeze %dma_wait3A_159 : memref<1x768x512xf32, #tpu.memory_space<hbm>> -> memref<768x512xf32, #tpu.memory_space<hbm>>
    %dma_wait3A_161 = arith.constant 0 : i32
    %dma_wait3A_162 = arith.constant 0 : i32
    %dma_wait3A_163 = tpu.memref_slice %dma_wait3A_160[%dma_wait3A_161, %dma_wait3A_162] : memref<768x512xf32, #tpu.memory_space<hbm>> -> memref<768x512xf32, #tpu.memory_space<hbm>>
    tpu.wait_indirect_dma semaphore(%arg14 : memref<!tpu.dma_semaphore, #tpu.memory_space<semaphore_mem>>) src(%dma_wait3A_163 : memref<768x512xf32, #tpu.memory_space<hbm>>) dst(%arg12 : memref<64x512xf32, #tpu.memory_space<vmem>>)
    %add3A_164 = arith.constant 6336 : i32
    %add3A_165 = arith.addi %mul3A_109, %add3A_164 : i32
    %dma_start3A_166 = arith.constant 0 : i32
    %dma_start3A_167 = tpu.memref_slice %arg5[%add3A_165, %dma_start3A_166] : memref<204800x512xf32, #tpu.memory_space<hbm>> -> memref<64x512xf32, #tpu.memory_space<hbm>>
    %dma_start3A_168 = arith.constant 0 : i32
    %dma_start3A_169 = tpu.memref_slice %arg5[%add3A_165, %dma_start3A_168] : memref<204800x512xf32, #tpu.memory_space<hbm>> -> memref<64x512xf32, #tpu.memory_space<hbm>>
    tpu.enqueue_dma source(%arg12 : memref<64x512xf32, #tpu.memory_space<vmem>>) target(%dma_start3A_169 : memref<64x512xf32, #tpu.memory_space<hbm>>) target_semaphore(%arg16 : memref<!tpu.dma_semaphore, #tpu.memory_space<semaphore_mem>>)
    %dma_wait3A_170 = arith.constant 0 : i32
    %dma_wait3A_171 = tpu.memref_slice %arg5[%mul3A_109, %dma_wait3A_170] : memref<204800x512xf32, #tpu.memory_space<hbm>> -> memref<64x512xf32, #tpu.memory_space<hbm>>
    %dma_wait3A_172 = arith.constant 0 : i32
    %dma_wait3A_173 = tpu.memref_slice %arg5[%mul3A_109, %dma_wait3A_172] : memref<204800x512xf32, #tpu.memory_space<hbm>> -> memref<64x512xf32, #tpu.memory_space<hbm>>
    tpu.wait_dma2 semaphore(%arg15 : memref<!tpu.dma_semaphore, #tpu.memory_space<semaphore_mem>>) src(%arg11 : memref<64x512xf32, #tpu.memory_space<vmem>>) dst(%dma_wait3A_173 : memref<64x512xf32, #tpu.memory_space<hbm>>)
    %dma_wait3A_174 = arith.constant 0 : i32
    %dma_wait3A_175 = tpu.memref_slice %arg5[%mul3A_109, %dma_wait3A_174] : memref<204800x512xf32, #tpu.memory_space<hbm>> -> memref<64x512xf32, #tpu.memory_space<hbm>>
    %dma_wait3A_176 = arith.constant 0 : i32
    %dma_wait3A_177 = tpu.memref_slice %arg5[%mul3A_109, %dma_wait3A_176] : memref<204800x512xf32, #tpu.memory_space<hbm>> -> memref<64x512xf32, #tpu.memory_space<hbm>>
    tpu.wait_dma2 semaphore(%arg16 : memref<!tpu.dma_semaphore, #tpu.memory_space<semaphore_mem>>) src(%arg12 : memref<64x512xf32, #tpu.memory_space<vmem>>) dst(%dma_wait3A_177 : memref<64x512xf32, #tpu.memory_space<hbm>>)
    return
  }
}

</mosaic_0001>

<sc_bundles>
// kernel: _sc_lookup.3.cloned.1.call-start
scs
__scs_entry_jumppad:
0x0: {  	(pc) =	sbr.rel $0x88, $3  }
0x1: {  	(tag) =	ssettag $0x0;
	lr =	simm.s32 $0x1  }
0x2: {  	[smem:$0x3F9E] =	sst lr;
	_ =	strace $0xD0000000  }
0x3: {  	_ = 	snop  }
0x4: {  	_ = 	snop  }
0x5: {  	_ = 	snop  }
0x6: {  	_ = 	snop  }
0x7: {  	_ = 	snop  }
__scs_overlays_trampoline_lowered:
0x8: {  	[smem:$0x3FAD] =	sst s0  }
0x9: {  	[smem:$0x3FAE] =	sst s1  }
0xa: {  	[smem:$0x3FAF] =	sst s2  }
0xb: {  	[smem:$0x3FB0] =	sst s3  }
0xc: {  	[smem:$0x3FB1] =	sst s4  }
0xd: {  	[smem:$0x3FB2] =	sst s5  }
0xe: {  	[smem:$0x3FB3] =	sst s6  }
0xf: {  	[smem:$0x3FB4] =	sst s7  }
0x10: {  	[smem:$0x3FB5] =	sst s8  }
0x11: {  	[smem:$0x3FB6] =	sst s9;
	s0 =	simm.s32 @!p0 $0x0  }
0x12: {  	s1 =	sld [smem:$0x3F9C];
	s0 =	simm.s32 @p0 $0x1  }
0x13: {  	[smem:$0x3FB7] =	sst s0;
	s0 =	simm.s32 @!p1 $0x0  }
0x14: {  	s2 =	sld [smem:$0x3F9B];
	s0 =	simm.s32 @p1 $0x1  }
0x15: {  	[smem:$0x3FB8] =	sst s0;
	s0 =	simm.s32 @!p2 $0x0  }
0x16: {  	s3 =	sld [smem:$0x3FDB];
	s0 =	simm.s32 @p2 $0x1  }
0x17: {  	s4 =	simm.s32 $0x1BF5;
	[smem:$0x3FBA] =	sst s0  }
0x18: {  	s0 =	sld [smem:$0x3F9D];
	_ =	swait.ge [sflag:s4], $0x0  }
0x19: {  	s7 =	sld [smem:$0x3F9E]  }
0x1a: {  	s8 =	sadd.s32 $0xFFFFE003, lr  }
0x1b: {  	s9 =	sadd.s32 $0xFFFFFEF7, lr;
	s5 =	simm.s32 $0xFFFFFFFF;
	p2 =	slt.u32 s8, $0xFFFFF086  }
0x1c: {  	p1 =	slt.u32 s9, $0xF7A;
	s5 =	simm.s32 @!p2 $0x0  }
0x1d: {  	s5 =	simm.s32 @p1 $0x1;
	p0 =	seq.s32 s7, s2  }
0x1e: {  	s7 =	smul.u32 @!p0 $0xF7A, s2;
	p2 =	seq.s32 @!p0 s5, $0x0  }
0x1f: {  	s9 =	smul.u32 $0xF7A, s1;
	s8 =	simm.s32 @!p0 $0x1BF5;
	p2 =	por !p2, p0  }
0x20: {  	[sflag:s8] =	ssyncset.s32 @!p0 $0xFFFFF086;
	s6 =	sadd.s32 @!p0 s3, s7;
	s7 =	simm.s32 @!p0 $0x108  }
0x21: {  	s3 =	sadd.s32 s3, s9;
	s6 =	sadd.s32 @!p0 $0x88, s6;
	s7 =	simm.s32 @p2 $0x1082  }
0x22: {  	[simem:s7], [sflag:s8] =	dma.local @!p0 [hbm:s6], $0xF7A  }
0x23: {  	s9 =	sor.u32 $0xD0000000, s2;
	s6 =	simm.s32 $0x108;
	_ =	swait.ge @!p0 [sflag:s8], $0x0  }
0x24: {  	s3 =	sadd.s32 $0x88, s3;
	s6 =	simm.s32 @!p1 $0x1082;
	[sflag:s4] =	ssyncset.s32 $0xFFFFF086  }
0x25: {  	[simem:s6], [sflag:s4] =	dma.local [hbm:s3], $0xF7A  }
0x26: {  	[smem:$0x3F9E] =	sst s1;
	(tag) =	ssettag s2;
	_ =	strace s9  }
0x27: {  	s1 =	sld [smem:$0x3FAE]  }
0x28: {  	s2 =	sld [smem:$0x3FAF]  }
0x29: {  	s4 =	sld [smem:$0x3FB1]  }
0x2a: {  	p0 =	seq.s32 s5, $0x0;
	s5 =	sld [smem:$0x3FB2]  }
0x2b: {  	s6 =	sld [smem:$0x3FB3]  }
0x2c: {  	s7 =	sld [smem:$0x3FB4]  }
0x2d: {  	s3 =	simm.s32 $0x108;
	s8 =	sld [smem:$0x3FB5]  }
0x2e: {  	s3 =	simm.s32 @!p0 $0x1082;
	s9 =	sld [smem:$0x3FB6]  }
0x2f: {  	lr =	sadd.s32 s0, s3;
	s0 =	sld [smem:$0x3FAD]  }
0x30: {  	s3 =	sld [smem:$0x3FB0]  }
0x31: {  	[smem:$0x3FB9] =	sst s10  }
0x32: {  	s10 =	sld [smem:$0x3FB7];
	_ =	sdelay $0x3  }
0x33: {  	p0 =	seq.s32 s10, $0x1;
	s10 =	sld [smem:$0x3FB9];
	_ =	sdelay $0x3  }
0x34: {  	[smem:$0x3FB9] =	sst s10  }
0x35: {  	s10 =	sld [smem:$0x3FB8];
	_ =	sdelay $0x3  }
0x36: {  	p1 =	seq.s32 s10, $0x1;
	s10 =	sld [smem:$0x3FB9];
	_ =	sdelay $0x3  }
0x37: {  	[smem:$0x3FB9] =	sst s10  }
0x38: {  	s10 =	sld [smem:$0x3FBA]  }
0x39: {  	_ = 	snop;
	(pc) =	sbr.ind lr, $3  }
0x3a: {  	_ = 	snop  }
0x3b: {  	_ = 	snop  }
0x3c: {  	p2 =	seq.s32 s10, $0x1;
	s10 =	sld [smem:$0x3FB9]  }
0x3d: {  	_ =	shalt  }
0x3e: {  	_ =	shalt  }
0x3f: {  	_ =	shalt  }
0x40: {  	_ =	shalt  }
0x41: {  	_ =	shalt  }
0x42: {  	_ =	shalt  }
0x43: {  	_ =	shalt  }
0x44: {  	_ =	shalt  }
0x45: {  	_ =	shalt  }
0x46: {  	_ =	shalt  }
0x47: {  	_ =	shalt  }
0x48: {  	_ =	shalt  }
0x49: {  	_ =	shalt  }
0x4a: {  	_ =	shalt  }
0x4b: {  	_ =	shalt  }
0x4c: {  	_ =	shalt  }
0x4d: {  	_ =	shalt  }
0x4e: {  	_ =	shalt  }
0x4f: {  	_ =	shalt  }
0x50: {  	_ =	shalt  }
0x51: {  	_ =	shalt  }
0x52: {  	_ =	shalt  }
0x53: {  	_ =	shalt  }
0x54: {  	_ =	shalt  }
0x55: {  	_ =	shalt  }
0x56: {  	_ =	shalt  }
0x57: {  	_ =	shalt  }
0x58: {  	_ =	shalt  }
0x59: {  	_ =	shalt  }
0x5a: {  	_ =	shalt  }
0x5b: {  	_ =	shalt  }
0x5c: {  	_ =	shalt  }
0x5d: {  	_ =	shalt  }
0x5e: {  	_ =	shalt  }
0x5f: {  	_ =	shalt  }
0x60: {  	_ =	shalt  }
0x61: {  	_ =	shalt  }
0x62: {  	_ =	shalt  }
0x63: {  	_ =	shalt  }
0x64: {  	_ =	shalt  }
0x65: {  	_ =	shalt  }
0x66: {  	_ =	shalt  }
0x67: {  	_ =	shalt  }
0x68: {  	_ =	shalt  }
0x69: {  	_ =	shalt  }
0x6a: {  	_ =	shalt  }
0x6b: {  	_ =	shalt  }
0x6c: {  	_ =	shalt  }
0x6d: {  	_ =	shalt  }
0x6e: {  	_ =	shalt  }
0x6f: {  	_ =	shalt  }
0x70: {  	_ =	shalt  }
0x71: {  	_ =	shalt  }
0x72: {  	_ =	shalt  }
0x73: {  	_ =	shalt  }
0x74: {  	_ =	shalt  }
0x75: {  	_ =	shalt  }
0x76: {  	_ =	shalt  }
0x77: {  	_ =	shalt  }
0x78: {  	_ =	shalt  }
0x79: {  	_ =	shalt  }
0x7a: {  	_ =	shalt  }
0x7b: {  	_ =	shalt  }
0x7c: {  	_ =	shalt  }
0x7d: {  	_ =	shalt  }
0x7e: {  	_ =	shalt  }
0x7f: {  	_ =	shalt  }
0x80: {  	_ =	shalt  }
0x81: {  	_ =	shalt  }
0x82: {  	_ =	shalt  }
0x83: {  	_ =	shalt  }
0x84: {  	_ =	shalt  }
0x85: {  	_ =	shalt  }
0x86: {  	_ =	shalt  }
0x87: {  	_ =	shalt  }
.Lfunc_end0:
.L_simem_size_0:
called_computation_lowered:
.L_overlay_start_0:
0x88: {  	s2 =	sld [smem:$0x3FD9]  }
0x89: {  	s3 =	sld [smem:$0x3FFE];
	_ =	sdelay $0x1  }
0x8a: {  	s1 =	srdreg.scid  }
0x8b: {  	s0 =	sand.u32 $0x1, s1  }
0x8c: {  	s17 =	sshll.u32 s0, $0xA;
	s2 =	sadd.s32 s3, s2  }
0x8d: {  	s2 =	sadd.s32 s2, s17  }
0x8e: {  	[smem:$0x3FC5] =	sst s2  }
0x8f: {  	_ = 	snop  }
0x90: {  	s2 =	sld [smem:$0x3FC8]  }
0x91: {  	s18 =	sld [smem:$0x3FC7]  }
0x92: {  	s4 =	sld [smem:$0x3FD0];
	(tm) =	ssettm $0x1  }
0x93: {  	s5 =	sld [smem:$0x3FFB];
	_ =	sdelay $0x3  }
0x94: {  	_ =	strace s5  }
0x95: {  	s5 =	sld [smem:$0x3FFC];
	_ =	sdelay $0x3  }
0x96: {  	_ =	strace s5  }
0x97: {  	s5 =	sld [smem:$0x3FFD];
	_ =	sdelay $0x3  }
0x98: {  	_ =	strace s5  }
0x99: {  	_ =	strace $0x8FFFFFFF  }
0x9a: {  	s19 =	sld [smem:$0x3FDB];
	_ =	sdelay $0x1  }
0x9b: {  	s6 =	simm.s32 $_scs_section_size  }
0x9c: {  	s7 =	simm.s32 $_size__tile_overlayer_lowered;
	s8 =	simm.s32 $_tile_overlayer_lowered  }
0x9d: {  	s22 =	simm.s32 $0x1BFF;
	s21 =	sshll.u32 s8, $0x1;
	s5 =	sadd.s32 s6, s19  }
0x9e: {  	s9 =	simm.s32 $0x0;
	s20 =	sshll.u32 s7, $0x1;
	s7 =	sadd.s32 s21, s5  }
0x9f: {  	[timem:s9], [sflag:s22] =	dma.local [hbm:s7], s20  }
0xa0: {  	_ =	swait.ge [sflag:s22], s20  }
0xa1: {  	s6 =	ssub.s32 $0x0, s20;
	[sflag:s22] =	ssyncset.done $0x0  }
0xa2: {  	[sflag:s22] =	ssyncadd.s32 s6;
	_ =	sdelay $0x1  }
0xa3: {  	s23 =	simm.s32 $0x1B8B  }
0xa4: {  	_ =	swait.ge [sflag:s23], $0x1  }
0xa5: {  	[sflag:s23] =	ssyncset.done $0x0  }
0xa6: {  	s25 =	simm.s32 $0x1B8E;
	s24 =	sld [smem:$0x3FFE];
	[sflag:s23] =	ssyncadd.s32 $0xFFFFFFFF  }
0xa7: {  	s26 =	simm.s32 $execute0_lowered;
	[smem:$0x3FD2] =	sst s25  }
0xa8: {  	s7 =	sshll.u32 s26, $0x1;
	_ =	strace $0x80000046;
	[dreg:$0x1] =	wrdreg $0xFFFFFFFF  }
0xa9: {  	s28 =	simm.s32 $_size_execute0_lowered;
	s5 =	sadd.s32 s5, s7;
	[dreg:$0x0] =	wrdreg $0x0  }
0xaa: {  	s7 =	sshll.u32 s28, $0x1;
	[dreg:$0x2] =	wrdreg s5  }
0xab: {  	[dreg:$0x3] =	wrdreg s7  }
0xac: {  	[dreg:$0x4] =	wrdreg $0xC0  }
0xad: {  	_ =	task [dreg:s9], $0x5FFFF  }
0xae: {  	[dreg:$0x1] =	wrdreg $0xFFFFFFFF  }
0xaf: {  	[dreg:$0x0] =	wrdreg $0x60  }
0xb0: {  	[dreg:$0x2] =	wrdreg s24  }
0xb1: {  	[dreg:$0x3] =	wrdreg s2  }
0xb2: {  	[dreg:$0x4] =	wrdreg s18  }
0xb3: {  	[dreg:$0x5] =	wrdreg s4  }
0xb4: {  	[dreg:$0x6] =	wrdreg $0x9  }
0xb5: {  	_ =	task.clear_ibuf [dreg:s9], $0x7FFFF;
	_ =	strace $0x90000046  }
0xb6: {  	s29 =	simm.s32 $0x9;
	_ =	strace $0x80000048  }
0xb7: {  	_ =	swait.ge [sflag:s29], $0x1  }
0xb8: {  	[sflag:s29] =	ssyncadd.s32 $0xFFFFFFFF  }
0xb9: {  	_ =	strace $0x90000048  }
0xba: {  	_ =	sfence  }
0xbb: {  	s30 =	sld [smem:$0x0];
	_ =	sdelay $0x2  }
0xbc: {  	s31 =	sshll.u32 s1, $0xD;
	s1 =	sshrl.u32 s1, $0x2  }
0xbd: {  	s3 =	sand.u32 $0x4000, s31;
	s1 =	sadd.s32 s1, s30  }
0xbe: {  	s0 =	sor.u32 s3, s0;
	s1 =	sshll.u32 s1, $0x11  }
0xbf: {  	s0 =	sor.u32 s1, s0  }
0xc0: {  	s0 =	sadd.s32 $0x8F2B, s0  }
0xc1: {  	[sflag:s0] =	ssyncadd.remote.s32 $0x1  }
0xc2: {  	_ =	sfence.sel $0xFFFF  }
0xc3: {  	[dreg:$0x0] =	wrdreg $0xFFFFFFFF;
	(pc) =	sbr.abs _section_cstart, $3  }
0xc4: {  	[dreg:$0x1] =	wrdreg $0xFFFFFFFF  }
0xc5: {  	_ =	task.clear_ibuf [dreg:s9], $0x2FFFF;
	_ =	strace $0x9FFFFFFF  }
0xc6: {  	(tm) =	ssettm $0x7FFFFFFF  }
0xc7: {  	_ =	shalt  }
tec
execute0_lowered:
.L_overlay_start_1:
0x0: {  	(tag) =	ssettag $0x1  }
0x1: {  	s14 =	stileid.u32  }
0x2: {  	s0 =	rddreg [dreg:$0x0];
	s8 =	smul.u32 $0x30, s14  }
0x3: {  	s1 =	srdreg.scid;
	s7 =	smul.u32 $0xC00, s14  }
0x4: {  	s3 =	rddreg [dreg:$0x3];
	s4 =	simm.s32 $0x0;
	s10 =	smul.u32 $0xC8000, s14  }
0x5: {  	s28 =	simm.s32 $0x1;
	s1 =	sand.u32 $0x1, s1;
	s18 =	smul.u32 $0x640000, s14  }
0x6: {  	s29 =	simm.s32 $0x2;
	s30 =	simm.s32 $0x3;
	s6 =	smul.u32 $0xC000, s1  }
0x7: {  	s31 =	simm.s32 $0x4;
	s2 =	sshll.u32 s14, $0x1;
	s12 =	smul.u32 $0x64000, s1  }
0x8: {  	s2 =	sor.u32 s1, s2;
	s16 =	ssub.s32 $0x2, s1;
	s1 =	smul.u32 $0x320000, s1  }
0x9: {  	s15 =	simm.s32 $0x13D00;
	[smem:$0x7FF] =	sst s4;
	s5 =	smul.u32 $0x680, s2  }
0xa: {  	s14 =	simm.s32 $0x13500;
	_ =	strace $0x80000047;
	s2 =	smul.u32 $0x320000, s2  }
0xb: {  	s17 =	sshrl.u32 s16, $0x1;
	s11 =	sadd.s32 $0x10, s8;
	s13 =	sadd.s32 $0x20, s8  }
0xc: {  	s19 =	sor.u32 $0x100, s7;
	s20 =	sadd.s32 s10, s3;
	s9 =	sadd.s32 s5, s0  }
0xd: {  	s0 =	sadd.s32 s6, s0;
	s6 =	ssub.s32 s16, s17;
	s2 =	sshrl.u32 s2, $0x3  }
0xe: {  	s17 =	simm.s32 $0x15D00;
	s16 =	simm.s32 $0xDD00;
	s5 =	sadd.s32 $0xD800, s0  }
0xf: {  	s9 =	sadd.s32 $0x800, s9;
	s2 =	sadd.s32 s3, s2;
	s0 =	sadd.s32 s1, s18  }
0x10: {  	v8 =	vlaneseq.u32;
	s24 =	smax.u32 s6, $0x1;
	s6 =	simm.s32 $0x6500;
	s1 =	simm.s32 $0x0  }
0x11: {  	v0 =	vadd.s32 $0xFFFFFFFE, v8;
	v6 =	vand.u32 $0x7, v8;
	v7 =	vshrl.u32 v8, $0x3;
	s18 =	simm.s32 $0x14500;
	[dreg:$0x7] =	wrdreg s9;
	s21 =	sadd.s32 $0x62000, s2  }
0x12: {  	v8 =	vor.u32 $0x8, v8;
	v7 =	vmul.u32 $0x8, v7;
	v1 =	vadd.s32 s8, v0;
	s9 =	sadd.s32 s12, s20;
	s22 =	sadd.s32 $0x63000, s2;
	[dreg:$0xa] =	wrdreg s24  }
0x13: {  	v3 =	vadd.s32 s11, v0;
	v5 =	vadd.s32 s13, v0;
	vm0 =	vlt.u32 v1, $0x282;
	s0 =	sshrl.u32 s0, $0x3;
	s25 =	sadd.s32 s7, s5;
	[dreg:$0x8] =	wrdreg s21  }
0x14: {  	v0 =	vand.u32 $0x1F, v1;
	v1 =	vmin.u32 v1, $0x282;
	vm1 =	vlt.u32 v3, $0x282;
	s26 =	sadd.s32 s5, s19;
	s20 =	simm.s32 $0xED00;
	[dreg:$0x9] =	wrdreg s22  }
0x15: {  	v2 =	vand.u32 $0x1F, v3;
	v0 =	vnsel vm0, $0x20, v0;
	v1 =	vshrl.u32 v1, $0x5;
	s24 =	simm.s32 $0xF500;
	s19 =	simm.s32 $0x14D00;
	[dreg:$0xb] =	wrdreg s25  }
0x16: {  	v3 =	vmin.u32 v3, $0x282;
	vm0 =	vlt.u32 v5, $0x282;
	v4 =	vand.u32 $0x1F, v5;
	s23 =	sadd.s32 $0x1000, s9;
	s0 =	sadd.s32 s0, s3;
	[dreg:$0xc] =	wrdreg s26  }
0x17: {  	v5 =	vmin.u32 v5, $0x282;
	v2 =	vnsel vm1, $0x20, v2;
	v3 =	vshrl.u32 v3, $0x5;
	s9 =	simm.s32 $0xE500;
	s25 =	simm.s32 $0xFD00;
	[dreg:$0x5] =	wrdreg s23  }
0x18: {  	v4 =	vnsel vm0, $0x20, v4;
	v5 =	vshrl.u32 v5, $0x5;
	vm0 =	vmmov $0xffff;
	s26 =	simm.s32 $0x10500;
	[dreg:$0x6] =	wrdreg s0;
	s23 =	simm.s32 $0x15500  }
.LBB2_1:
0x19: {  	[tilespmem:$0x0] =	vst v0  }
0x1a: {  	v9 =	vld [tilespmem:$0x0];
	_ =	sdelay $0x4  }
0x1b: {  	v10 =	vshll.u32 v9, $0x1  }
0x1c: {  	v9 =	vand.u32 $0x7, v9;
	v10 =	vand.u32 $0xFFFFFFF0, v10  }
0x1d: {  	v9 =	vor.u32 v9, v10  }
0x1e: {  	v10 =	vperm.xlane v9, v6;
	_ =	sdelay $0x1  }
0x1f: {  	[tilespmem:$0x80] =	vst v1;
	v9 =	vperm.xlane v9, v8;
	v10 =	vadd.s32 v7, v10  }
0x20: {  	[tilespmem:$0x10] =	vst v2  }
0x21: {  	[tilespmem:$0x90] =	vst v3;
	v9 =	vadd.s32 v7, v9  }
0x22: {  	[tilespmem:$0x20] =	vst v4  }
0x23: {  	[tilespmem:$0xA0] =	vst v5;
	s0 =	rddreg [dreg:$0x1];
	s2 =	simm.s32 $0x100  }
0x24: {  	[tilespmem:s2], [sflag:$0x5] =	stream.indirect_vreg.gather [hbm4b:s0+s4], $0x80, v10, vm0, $0xb8;
	[tilespmem:$0x16500] =	vst v63  }
0x25: {  	s10 =	simm.s32 $0x900  }
0x26: {  	[tilespmem:s10], [sflag:$0x5] =	stream.indirect_vreg.gather [hbm4b:s0+s4], $0x80, v9, vm0, $0xb8;
	[tilespmem:$0x16500] =	vst v63  }
0x27: {  	v9 =	vld [tilespmem:$0x10];
	_ =	sdelay $0x4  }
0x28: {  	v10 =	vshll.u32 v9, $0x1  }
0x29: {  	v9 =	vand.u32 $0x7, v9;
	v10 =	vand.u32 $0xFFFFFFF0, v10  }
0x2a: {  	v9 =	vor.u32 v9, v10  }
0x2b: {  	v10 =	vperm.xlane v9, v6;
	_ =	sdelay $0x1  }
0x2c: {  	v9 =	vperm.xlane v9, v8;
	v10 =	vadd.s32 v7, v10;
	_ =	sdelay $0x1  }
0x2d: {  	v9 =	vadd.s32 v7, v9;
	_ =	sdelay $0x1  }
0x2e: {  	s11 =	simm.s32 $0x1100  }
0x2f: {  	[tilespmem:s11], [sflag:$0x5] =	stream.indirect_vreg.gather [hbm4b:s0+s4], $0x80, v10, vm0, $0xb8;
	[tilespmem:$0x16500] =	vst v63  }
0x30: {  	s12 =	simm.s32 $0x1900  }
0x31: {  	[tilespmem:s12], [sflag:$0x5] =	stream.indirect_vreg.gather [hbm4b:s0+s4], $0x80, v9, vm0, $0xb8;
	[tilespmem:$0x16500] =	vst v63  }
0x32: {  	v9 =	vld [tilespmem:$0x20];
	_ =	sdelay $0x4  }
0x33: {  	v10 =	vshll.u32 v9, $0x1  }
0x34: {  	v9 =	vand.u32 $0x7, v9;
	v10 =	vand.u32 $0xFFFFFFF0, v10  }
0x35: {  	v9 =	vor.u32 v9, v10  }
0x36: {  	v10 =	vperm.xlane v9, v6;
	_ =	sdelay $0x1  }
0x37: {  	v9 =	vperm.xlane v9, v8;
	v10 =	vadd.s32 v7, v10;
	_ =	sdelay $0x1  }
0x38: {  	v9 =	vadd.s32 v7, v9;
	_ =	sdelay $0x1  }
0x39: {  	s13 =	simm.s32 $0x2100  }
0x3a: {  	[tilespmem:s13], [sflag:$0x5] =	stream.indirect_vreg.gather [hbm4b:s0+s4], $0x80, v10, vm0, $0xb8;
	[tilespmem:$0x16500] =	vst v63  }
0x3b: {  	[dreg:$0xd] =	wrdreg s1;
	s1 =	simm.s32 $0x2900;
	s7 =	simm.s32 $0x5  }
0x3c: {  	[tilespmem:s1], [sflag:$0x5] =	stream.indirect_vreg.gather [hbm4b:s0+s4], $0x80, v9, vm0, $0xb8;
	[tilespmem:$0x16500] =	vst v63  }
0x3d: {  	_ =	swait.ge [sflag:s7], $0x3000  }
0x3e: {  	s22 =	simm.s32 $0x800;
	[sflag:s7] =	ssyncset.done $0x0  }
0x3f: {  	s3 =	simm.s32 $0x1000;
	s8 =	rddreg [dreg:$0xb];
	[sflag:s7] =	ssyncadd.s32 $0xFFFFD000  }
0x40: {  	[hbm4b:s8+s22] =	stream.strided.scatter [tilespmem:s2], [sflag:$0x6], $0x3000, s3, s22, $0x38;
	[tilespmem:$0x16500] =	vst v63  }
0x41: {  	s8 =	simm.s32 $0x6  }
0x42: {  	_ =	swait.ge [sflag:s8], $0x3000  }
0x43: {  	[sflag:s8] =	ssyncset.done $0x0  }
0x44: {  	[sflag:s8] =	ssyncadd.s32 $0xFFFFD000  }
0x45: {  	v9 =	vld [tilespmem:$0x80];
	_ =	sdelay $0x4  }
0x46: {  	v10 =	vshll.u32 v9, $0x1  }
0x47: {  	v9 =	vand.u32 $0x7, v9;
	v10 =	vand.u32 $0xFFFFFFF0, v10  }
0x48: {  	v9 =	vor.u32 v9, v10  }
0x49: {  	v10 =	vperm.xlane v9, v6;
	_ =	sdelay $0x1  }
0x4a: {  	v9 =	vperm.xlane v9, v8;
	v10 =	vadd.s32 v7, v10;
	_ =	sdelay $0x1  }
0x4b: {  	v9 =	vadd.s32 v7, v9;
	_ =	sdelay $0x1  }
0x4c: {  	s21 =	rddreg [dreg:$0x2]  }
0x4d: {  	[tilespmem:s2], [sflag:$0x5] =	stream.indirect_vreg.gather [hbm4b:s21+s4], $0x80, v10, vm0, $0xb8;
	[tilespmem:$0x16500] =	vst v63  }
0x4e: {  	_ = 	snop  }
0x4f: {  	[tilespmem:s10], [sflag:$0x5] =	stream.indirect_vreg.gather [hbm4b:s21+s4], $0x80, v9, vm0, $0xb8;
	[tilespmem:$0x16500] =	vst v63  }
0x50: {  	v9 =	vld [tilespmem:$0x90];
	_ =	sdelay $0x4  }
0x51: {  	v10 =	vshll.u32 v9, $0x1  }
0x52: {  	v9 =	vand.u32 $0x7, v9;
	v10 =	vand.u32 $0xFFFFFFF0, v10  }
0x53: {  	v9 =	vor.u32 v9, v10  }
0x54: {  	v10 =	vperm.xlane v9, v6;
	_ =	sdelay $0x1  }
0x55: {  	v9 =	vperm.xlane v9, v8;
	v10 =	vadd.s32 v7, v10;
	_ =	sdelay $0x1  }
0x56: {  	v9 =	vadd.s32 v7, v9;
	_ =	sdelay $0x2  }
0x57: {  	[tilespmem:s11], [sflag:$0x5] =	stream.indirect_vreg.gather [hbm4b:s21+s4], $0x80, v10, vm0, $0xb8;
	[tilespmem:$0x16500] =	vst v63  }
0x58: {  	_ = 	snop  }
0x59: {  	[tilespmem:s12], [sflag:$0x5] =	stream.indirect_vreg.gather [hbm4b:s21+s4], $0x80, v9, vm0, $0xb8;
	[tilespmem:$0x16500] =	vst v63  }
0x5a: {  	v9 =	vld [tilespmem:$0xA0];
	_ =	sdelay $0x4  }
0x5b: {  	v10 =	vshll.u32 v9, $0x1  }
0x5c: {  	v9 =	vand.u32 $0x7, v9;
	v10 =	vand.u32 $0xFFFFFFF0, v10  }
0x5d: {  	v9 =	vor.u32 v9, v10  }
0x5e: {  	v10 =	vperm.xlane v9, v6;
	_ =	sdelay $0x1  }
0x5f: {  	v9 =	vperm.xlane v9, v8;
	v10 =	vadd.s32 v7, v10;
	_ =	sdelay $0x1  }
0x60: {  	v9 =	vadd.s32 v7, v9;
	_ =	sdelay $0x2  }
0x61: {  	[tilespmem:s13], [sflag:$0x5] =	stream.indirect_vreg.gather [hbm4b:s21+s4], $0x80, v10, vm0, $0xb8;
	[tilespmem:$0x16500] =	vst v63  }
0x62: {  	_ = 	snop  }
0x63: {  	[tilespmem:s1], [sflag:$0x5] =	stream.indirect_vreg.gather [hbm4b:s21+s4], $0x80, v9, vm0, $0xb8;
	[tilespmem:$0x16500] =	vst v63  }
0x64: {  	_ =	swait.ge [sflag:s7], $0x3000  }
0x65: {  	[sflag:s7] =	ssyncset.done $0x0  }
0x66: {  	s13 =	rddreg [dreg:$0xc];
	[sflag:s7] =	ssyncadd.s32 $0xFFFFD000  }
0x67: {  	[hbm4b:s13+s22] =	stream.strided.scatter [tilespmem:s2], [sflag:$0x6], $0x3000, s3, s22, $0x38;
	[tilespmem:$0x16500] =	vst v63  }
0x68: {  	_ =	swait.ge [sflag:s8], $0x3000  }
0x69: {  	[sflag:s8] =	ssyncset.done $0x0  }
0x6a: {  	[sflag:s8] =	ssyncadd.s32 $0xFFFFD000  }
0x6b: {  	[bflag:$0x0] =	sbarrier.arrive $0xFFFF  }
0x6c: {  	s22 =	simm.s32 $0x3100;
	s21 =	rddreg [dreg:$0x7]  }
0x6d: {  	[tilespmem:s22], [sflag:$0x6] =	stream.linear.gather [hbm4b:s21+s4], $0x3200, $0x38;
	[tilespmem:$0x16500] =	vst v63  }
0x6e: {  	_ =	swait.ge [sflag:s8], $0x3200  }
0x6f: {  	[sflag:s8] =	ssyncset.done $0x0  }
0x70: {  	[sflag:s8] =	ssyncadd.s32 $0xFFFFCE00  }
0x71: {  	v9 =	vld [tilespmem:$0x3100];
	_ =	sdelay $0x4  }
0x72: {  	v10 =	vshll.u32 v9, $0x2  }
0x73: {  	v9 =	vand.u32 $0x7, v9;
	v10 =	vand.u32 $0xFFFFFFE0, v10  }
0x74: {  	v9 =	vor.u32 v9, v10  }
0x75: {  	v10 =	vperm.xlane v9, v6;
	_ =	sdelay $0x1  }
0x76: {  	v10 =	vadd.s32 v7, v10;
	_ =	sdelay $0x1  }
0x77: {  	v9 =	vperm.xlane v9, v8;
	_ =	sdelay $0x1  }
0x78: {  	v9 =	vadd.s32 v7, v9  }
0x79: {  	[tilespmem:s6], [sflag:$0x1] =	stream.indirect_vreg.gather [hbm4b:s5+s4], $0x80, v10, vm0, $0xb8;
	[tilespmem:$0x16500] =	vst v63  }
0x7a: {  	s12 =	simm.s32 $0x6D00;
	s2 =	sadd.s32 $0x100, s5  }
0x7b: {  	[tilespmem:s12], [sflag:$0x1] =	stream.indirect_vreg.gather [hbm4b:s2+s4], $0x80, v10, vm0, $0xb8;
	[tilespmem:$0x16500] =	vst v63  }
0x7c: {  	s3 =	simm.s32 $0x7500  }
0x7d: {  	[tilespmem:s3], [sflag:$0x1] =	stream.indirect_vreg.gather [hbm4b:s5+s4], $0x80, v9, vm0, $0xb8;
	[tilespmem:$0x16500] =	vst v63  }
0x7e: {  	s6 =	simm.s32 $0x7D00  }
0x7f: {  	[tilespmem:s6], [sflag:$0x1] =	stream.indirect_vreg.gather [hbm4b:s2+s4], $0x80, v9, vm0, $0xb8;
	[tilespmem:$0x16500] =	vst v63  }
0x80: {  	v9 =	vld [tilespmem:$0x3110];
	_ =	sdelay $0x4  }
0x81: {  	v10 =	vshll.u32 v9, $0x2  }
0x82: {  	v9 =	vand.u32 $0x7, v9;
	v10 =	vand.u32 $0xFFFFFFE0, v10  }
0x83: {  	v9 =	vor.u32 v9, v10  }
0x84: {  	v10 =	vperm.xlane v9, v6;
	_ =	sdelay $0x1  }
0x85: {  	v10 =	vadd.s32 v7, v10;
	_ =	sdelay $0x1  }
0x86: {  	v9 =	vperm.xlane v9, v8;
	_ =	sdelay $0x1  }
0x87: {  	s7 =	simm.s32 $0x8500;
	v9 =	vadd.s32 v7, v9  }
0x88: {  	[tilespmem:s7], [sflag:$0x1] =	stream.indirect_vreg.gather [hbm4b:s5+s4], $0x80, v10, vm0, $0xb8;
	[tilespmem:$0x16500] =	vst v63  }
0x89: {  	s8 =	simm.s32 $0x8D00  }
0x8a: {  	[tilespmem:s8], [sflag:$0x1] =	stream.indirect_vreg.gather [hbm4b:s2+s4], $0x80, v10, vm0, $0xb8;
	[tilespmem:$0x16500] =	vst v63  }
0x8b: {  	s10 =	simm.s32 $0x9500  }
0x8c: {  	[tilespmem:s10], [sflag:$0x1] =	stream.indirect_vreg.gather [hbm4b:s5+s4], $0x80, v9, vm0, $0xb8;
	[tilespmem:$0x16500] =	vst v63  }
0x8d: {  	s11 =	simm.s32 $0x9D00  }
0x8e: {  	[tilespmem:s11], [sflag:$0x1] =	stream.indirect_vreg.gather [hbm4b:s2+s4], $0x80, v9, vm0, $0xb8;
	[tilespmem:$0x16500] =	vst v63  }
0x8f: {  	v9 =	vld [tilespmem:$0x3120];
	_ =	sdelay $0x4  }
0x90: {  	v10 =	vshll.u32 v9, $0x2  }
0x91: {  	v9 =	vand.u32 $0x7, v9;
	v10 =	vand.u32 $0xFFFFFFE0, v10  }
0x92: {  	v9 =	vor.u32 v9, v10  }
0x93: {  	v10 =	vperm.xlane v9, v6;
	_ =	sdelay $0x1  }
0x94: {  	v10 =	vadd.s32 v7, v10;
	_ =	sdelay $0x1  }
0x95: {  	v9 =	vperm.xlane v9, v8;
	_ =	sdelay $0x1  }
0x96: {  	s12 =	simm.s32 $0xA500;
	v9 =	vadd.s32 v7, v9  }
0x97: {  	[tilespmem:s12], [sflag:$0x1] =	stream.indirect_vreg.gather [hbm4b:s5+s4], $0x80, v10, vm0, $0xb8;
	[tilespmem:$0x16500] =	vst v63  }
0x98: {  	s13 =	simm.s32 $0xAD00  }
0x99: {  	[tilespmem:s13], [sflag:$0x1] =	stream.indirect_vreg.gather [hbm4b:s2+s4], $0x80, v10, vm0, $0xb8;
	[tilespmem:$0x16500] =	vst v63  }
0x9a: {  	s21 =	simm.s32 $0xB500  }
0x9b: {  	[tilespmem:s21], [sflag:$0x1] =	stream.indirect_vreg.gather [hbm4b:s5+s4], $0x80, v9, vm0, $0xb8;
	[tilespmem:$0x16500] =	vst v63  }
0x9c: {  	s22 =	simm.s32 $0xBD00  }
0x9d: {  	[tilespmem:s22], [sflag:$0x1] =	stream.indirect_vreg.gather [hbm4b:s2+s4], $0x80, v9, vm0, $0xb8;
	[tilespmem:$0x16500] =	vst v63  }
0x9e: {  	v9 =	vld [tilespmem:$0x3130];
	_ =	sdelay $0x4  }
0x9f: {  	v10 =	vshll.u32 v9, $0x2  }
0xa0: {  	v9 =	vand.u32 $0x7, v9;
	v10 =	vand.u32 $0xFFFFFFE0, v10  }
0xa1: {  	v9 =	vor.u32 v9, v10  }
0xa2: {  	v10 =	vperm.xlane v9, v6;
	_ =	sdelay $0x1  }
0xa3: {  	v10 =	vadd.s32 v7, v10;
	_ =	sdelay $0x1  }
0xa4: {  	v9 =	vperm.xlane v9, v8;
	_ =	sdelay $0x1  }
0xa5: {  	s10 =	simm.s32 $0xC500;
	v9 =	vadd.s32 v7, v9  }
0xa6: {  	[tilespmem:s10], [sflag:$0x1] =	stream.indirect_vreg.gather [hbm4b:s5+s4], $0x80, v10, vm0, $0xb8;
	[tilespmem:$0x16500] =	vst v63  }
0xa7: {  	s1 =	simm.s32 $0xCD00  }
0xa8: {  	[tilespmem:s1], [sflag:$0x1] =	stream.indirect_vreg.gather [hbm4b:s2+s4], $0x80, v10, vm0, $0xb8;
	[tilespmem:$0x16500] =	vst v63  }
0xa9: {  	s3 =	simm.s32 $0xD500  }
0xaa: {  	[tilespmem:s3], [sflag:$0x1] =	stream.indirect_vreg.gather [hbm4b:s5+s4], $0x80, v9, vm0, $0xb8;
	[tilespmem:$0x16500] =	vst v63  }
0xab: {  	_ = 	snop  }
0xac: {  	[tilespmem:s16], [sflag:$0x1] =	stream.indirect_vreg.gather [hbm4b:s2+s4], $0x80, v9, vm0, $0xb8;
	[tilespmem:$0x16500] =	vst v63  }
0xad: {  	v9 =	vld [tilespmem:$0x3180];
	_ =	sdelay $0x4  }
0xae: {  	v10 =	vshll.u32 v9, $0x2  }
0xaf: {  	v9 =	vand.u32 $0x7, v9;
	v10 =	vand.u32 $0xFFFFFFE0, v10  }
0xb0: {  	v9 =	vor.u32 v9, v10  }
0xb1: {  	v10 =	vperm.xlane v9, v6;
	_ =	sdelay $0x1  }
0xb2: {  	v10 =	vadd.s32 v7, v10;
	_ =	sdelay $0x1  }
0xb3: {  	v9 =	vperm.xlane v9, v8;
	_ =	sdelay $0x1  }
0xb4: {  	v9 =	vadd.s32 v7, v9  }
0xb5: {  	[tilespmem:s9], [sflag:$0x2] =	stream.indirect_vreg.gather [hbm4b:s5+s4], $0x80, v10, vm0, $0xb8;
	[tilespmem:$0x16500] =	vst v63  }
0xb6: {  	_ = 	snop  }
0xb7: {  	[tilespmem:s20], [sflag:$0x2] =	stream.indirect_vreg.gather [hbm4b:s2+s4], $0x80, v10, vm0, $0xb8;
	[tilespmem:$0x16500] =	vst v63  }
0xb8: {  	_ = 	snop  }
0xb9: {  	[tilespmem:s24], [sflag:$0x2] =	stream.indirect_vreg.gather [hbm4b:s5+s4], $0x80, v9, vm0, $0xb8;
	[tilespmem:$0x16500] =	vst v63  }
0xba: {  	_ = 	snop  }
0xbb: {  	[tilespmem:s25], [sflag:$0x2] =	stream.indirect_vreg.gather [hbm4b:s2+s4], $0x80, v9, vm0, $0xb8;
	[tilespmem:$0x16500] =	vst v63  }
0xbc: {  	v9 =	vld [tilespmem:$0x3190];
	_ =	sdelay $0x4  }
0xbd: {  	v10 =	vshll.u32 v9, $0x2  }
0xbe: {  	v9 =	vand.u32 $0x7, v9;
	v10 =	vand.u32 $0xFFFFFFE0, v10  }
0xbf: {  	v9 =	vor.u32 v9, v10  }
0xc0: {  	v10 =	vperm.xlane v9, v6;
	_ =	sdelay $0x1  }
0xc1: {  	v10 =	vadd.s32 v7, v10;
	_ =	sdelay $0x1  }
0xc2: {  	v9 =	vperm.xlane v9, v8;
	_ =	sdelay $0x1  }
0xc3: {  	v9 =	vadd.s32 v7, v9  }
0xc4: {  	[tilespmem:s26], [sflag:$0x2] =	stream.indirect_vreg.gather [hbm4b:s5+s4], $0x80, v10, vm0, $0xb8;
	[tilespmem:$0x16500] =	vst v63  }
0xc5: {  	s7 =	simm.s32 $0x10D00  }
0xc6: {  	[tilespmem:s7], [sflag:$0x2] =	stream.indirect_vreg.gather [hbm4b:s2+s4], $0x80, v10, vm0, $0xb8;
	[tilespmem:$0x16500] =	vst v63  }
0xc7: {  	s8 =	simm.s32 $0x11500  }
0xc8: {  	[tilespmem:s8], [sflag:$0x2] =	stream.indirect_vreg.gather [hbm4b:s5+s4], $0x80, v9, vm0, $0xb8;
	[tilespmem:$0x16500] =	vst v63  }
0xc9: {  	s11 =	simm.s32 $0x11D00  }
0xca: {  	[tilespmem:s11], [sflag:$0x2] =	stream.indirect_vreg.gather [hbm4b:s2+s4], $0x80, v9, vm0, $0xb8;
	[tilespmem:$0x16500] =	vst v63  }
0xcb: {  	v9 =	vld [tilespmem:$0x31A0];
	_ =	sdelay $0x4  }
0xcc: {  	v10 =	vshll.u32 v9, $0x2  }
0xcd: {  	v9 =	vand.u32 $0x7, v9;
	v10 =	vand.u32 $0xFFFFFFE0, v10  }
0xce: {  	v9 =	vor.u32 v9, v10  }
0xcf: {  	v10 =	vperm.xlane v9, v6;
	_ =	sdelay $0x1  }
0xd0: {  	v10 =	vadd.s32 v7, v10;
	_ =	sdelay $0x1  }
0xd1: {  	v9 =	vperm.xlane v9, v8;
	_ =	sdelay $0x1  }
0xd2: {  	s12 =	simm.s32 $0x12500;
	v9 =	vadd.s32 v7, v9  }
0xd3: {  	[tilespmem:s12], [sflag:$0x2] =	stream.indirect_vreg.gather [hbm4b:s5+s4], $0x80, v10, vm0, $0xb8;
	[tilespmem:$0x16500] =	vst v63  }
0xd4: {  	s13 =	simm.s32 $0x12D00  }
0xd5: {  	[tilespmem:s13], [sflag:$0x2] =	stream.indirect_vreg.gather [hbm4b:s2+s4], $0x80, v10, vm0, $0xb8;
	[tilespmem:$0x16500] =	vst v63  }
0xd6: {  	_ = 	snop  }
0xd7: {  	[tilespmem:s14], [sflag:$0x2] =	stream.indirect_vreg.gather [hbm4b:s5+s4], $0x80, v9, vm0, $0xb8;
	[tilespmem:$0x16500] =	vst v63  }
0xd8: {  	_ = 	snop  }
0xd9: {  	[tilespmem:s15], [sflag:$0x2] =	stream.indirect_vreg.gather [hbm4b:s2+s4], $0x80, v9, vm0, $0xb8;
	[tilespmem:$0x16500] =	vst v63  }
0xda: {  	v9 =	vld [tilespmem:$0x31B0];
	_ =	sdelay $0x4  }
0xdb: {  	v10 =	vshll.u32 v9, $0x2  }
0xdc: {  	v9 =	vand.u32 $0x7, v9;
	v10 =	vand.u32 $0xFFFFFFE0, v10  }
0xdd: {  	v9 =	vor.u32 v9, v10  }
0xde: {  	v10 =	vperm.xlane v9, v6;
	_ =	sdelay $0x1  }
0xdf: {  	v10 =	vadd.s32 v7, v10;
	_ =	sdelay $0x1  }
0xe0: {  	v9 =	vperm.xlane v9, v8;
	_ =	sdelay $0x1  }
0xe1: {  	v9 =	vadd.s32 v7, v9  }
0xe2: {  	[tilespmem:s18], [sflag:$0x2] =	stream.indirect_vreg.gather [hbm4b:s5+s4], $0x80, v10, vm0, $0xb8;
	[tilespmem:$0x16500] =	vst v63  }
0xe3: {  	_ = 	snop  }
0xe4: {  	[tilespmem:s19], [sflag:$0x2] =	stream.indirect_vreg.gather [hbm4b:s2+s4], $0x80, v10, vm0, $0xb8;
	[tilespmem:$0x16500] =	vst v63  }
0xe5: {  	_ = 	snop  }
0xe6: {  	[tilespmem:s23], [sflag:$0x2] =	stream.indirect_vreg.gather [hbm4b:s5+s4], $0x80, v9, vm0, $0xb8;
	[tilespmem:$0x16500] =	vst v63  }
0xe7: {  	s0 =	simm.s32 $0x32B0;
	s22 =	simm.s32 $0x0  }
0xe8: {  	[tilespmem:s17], [sflag:$0x2] =	stream.indirect_vreg.gather [hbm4b:s2+s4], $0x80, v9, vm0, $0xb8;
	[tilespmem:$0x16500] =	vst v63  }
.LBB2_2:
0xe9: {  	_ =	swait.ge [sflag:s28], $0x8000  }
0xea: {  	s6 =	rddreg [dreg:$0x6];
	[sflag:s28] =	ssyncset.done $0x0  }
0xeb: {  	s17 =	simm.s32 $0x6500;
	[sflag:s28] =	ssyncadd.s32 $0xFFFF8000;
	s6 =	sadd.s32 s22, s6  }
0xec: {  	[hbm4b:s6+s4] =	stream.linear.scatter [tilespmem:s17], [sflag:$0x3], $0x8000, $0x38;
	[tilespmem:$0x16500] =	vst v63  }
0xed: {  	_ =	swait.ge [sflag:s29], $0x8000  }
0xee: {  	s21 =	rddreg [dreg:$0x5];
	[sflag:s29] =	ssyncset.done $0x0  }
0xef: {  	[sflag:s29] =	ssyncadd.s32 $0xFFFF8000;
	s6 =	sadd.s32 s22, s21  }
0xf0: {  	[hbm4b:s6+s4] =	stream.linear.scatter [tilespmem:s9], [sflag:$0x4], $0x8000, $0x38;
	[tilespmem:$0x16500] =	vst v63  }
0xf1: {  	_ =	swait.ge [sflag:s30], $0x8000  }
0xf2: {  	[sflag:s30] =	ssyncset.done $0x0  }
0xf3: {  	[sflag:s30] =	ssyncadd.s32 $0xFFFF8000  }
0xf4: {  	v9 =	vld [tilespmem:s0+$0xFFFFFF50];
	_ =	sdelay $0x4  }
0xf5: {  	v10 =	vshll.u32 v9, $0x2  }
0xf6: {  	v9 =	vand.u32 $0x7, v9;
	v10 =	vand.u32 $0xFFFFFFE0, v10  }
0xf7: {  	v9 =	vor.u32 v9, v10  }
0xf8: {  	v10 =	vperm.xlane v9, v6;
	_ =	sdelay $0x1  }
0xf9: {  	v10 =	vadd.s32 v7, v10;
	_ =	sdelay $0x1  }
0xfa: {  	v9 =	vperm.xlane v9, v8;
	_ =	sdelay $0x1  }
0xfb: {  	v9 =	vadd.s32 v7, v9  }
0xfc: {  	[tilespmem:s17], [sflag:$0x1] =	stream.indirect_vreg.gather [hbm4b:s5+s4], $0x80, v10, vm0, $0xb8;
	[tilespmem:$0x16500] =	vst v63  }
0xfd: {  	s21 =	simm.s32 $0x6D00  }
0xfe: {  	[tilespmem:s21], [sflag:$0x1] =	stream.indirect_vreg.gather [hbm4b:s2+s4], $0x80, v10, vm0, $0xb8;
	[tilespmem:$0x16500] =	vst v63  }
0xff: {  	s21 =	simm.s32 $0x7500  }
0x100: {  	[tilespmem:s21], [sflag:$0x1] =	stream.indirect_vreg.gather [hbm4b:s5+s4], $0x80, v9, vm0, $0xb8;
	[tilespmem:$0x16500] =	vst v63  }
0x101: {  	s21 =	simm.s32 $0x7D00  }
0x102: {  	[tilespmem:s21], [sflag:$0x1] =	stream.indirect_vreg.gather [hbm4b:s2+s4], $0x80, v9, vm0, $0xb8;
	[tilespmem:$0x16500] =	vst v63  }
0x103: {  	v9 =	vld [tilespmem:s0+$0xFFFFFF60];
	_ =	sdelay $0x4  }
0x104: {  	v10 =	vshll.u32 v9, $0x2  }
0x105: {  	v9 =	vand.u32 $0x7, v9;
	v10 =	vand.u32 $0xFFFFFFE0, v10  }
0x106: {  	v9 =	vor.u32 v9, v10  }
0x107: {  	v10 =	vperm.xlane v9, v6;
	_ =	sdelay $0x1  }
0x108: {  	v10 =	vadd.s32 v7, v10;
	_ =	sdelay $0x1  }
0x109: {  	v9 =	vperm.xlane v9, v8;
	_ =	sdelay $0x1  }
0x10a: {  	s21 =	simm.s32 $0x8500;
	v9 =	vadd.s32 v7, v9  }
0x10b: {  	[tilespmem:s21], [sflag:$0x1] =	stream.indirect_vreg.gather [hbm4b:s5+s4], $0x80, v10, vm0, $0xb8;
	[tilespmem:$0x16500] =	vst v63  }
0x10c: {  	s21 =	simm.s32 $0x8D00  }
0x10d: {  	[tilespmem:s21], [sflag:$0x1] =	stream.indirect_vreg.gather [hbm4b:s2+s4], $0x80, v10, vm0, $0xb8;
	[tilespmem:$0x16500] =	vst v63  }
0x10e: {  	s21 =	simm.s32 $0x9500  }
0x10f: {  	[tilespmem:s21], [sflag:$0x1] =	stream.indirect_vreg.gather [hbm4b:s5+s4], $0x80, v9, vm0, $0xb8;
	[tilespmem:$0x16500] =	vst v63  }
0x110: {  	s21 =	simm.s32 $0x9D00  }
0x111: {  	[tilespmem:s21], [sflag:$0x1] =	stream.indirect_vreg.gather [hbm4b:s2+s4], $0x80, v9, vm0, $0xb8;
	[tilespmem:$0x16500] =	vst v63  }
0x112: {  	v9 =	vld [tilespmem:s0+$0xFFFFFF70];
	_ =	sdelay $0x4  }
0x113: {  	v10 =	vshll.u32 v9, $0x2  }
0x114: {  	v9 =	vand.u32 $0x7, v9;
	v10 =	vand.u32 $0xFFFFFFE0, v10  }
0x115: {  	v9 =	vor.u32 v9, v10  }
0x116: {  	v10 =	vperm.xlane v9, v6;
	_ =	sdelay $0x1  }
0x117: {  	v10 =	vadd.s32 v7, v10;
	_ =	sdelay $0x1  }
0x118: {  	v9 =	vperm.xlane v9, v8;
	_ =	sdelay $0x1  }
0x119: {  	s21 =	simm.s32 $0xA500;
	v9 =	vadd.s32 v7, v9  }
0x11a: {  	[tilespmem:s21], [sflag:$0x1] =	stream.indirect_vreg.gather [hbm4b:s5+s4], $0x80, v10, vm0, $0xb8;
	[tilespmem:$0x16500] =	vst v63  }
0x11b: {  	s21 =	simm.s32 $0xAD00  }
0x11c: {  	[tilespmem:s21], [sflag:$0x1] =	stream.indirect_vreg.gather [hbm4b:s2+s4], $0x80, v10, vm0, $0xb8;
	[tilespmem:$0x16500] =	vst v63  }
0x11d: {  	s21 =	simm.s32 $0xB500  }
0x11e: {  	[tilespmem:s21], [sflag:$0x1] =	stream.indirect_vreg.gather [hbm4b:s5+s4], $0x80, v9, vm0, $0xb8;
	[tilespmem:$0x16500] =	vst v63  }
0x11f: {  	s21 =	simm.s32 $0xBD00  }
0x120: {  	[tilespmem:s21], [sflag:$0x1] =	stream.indirect_vreg.gather [hbm4b:s2+s4], $0x80, v9, vm0, $0xb8;
	[tilespmem:$0x16500] =	vst v63  }
0x121: {  	v9 =	vld [tilespmem:s0+$0xFFFFFF80];
	_ =	sdelay $0x4  }
0x122: {  	v10 =	vshll.u32 v9, $0x2  }
0x123: {  	v9 =	vand.u32 $0x7, v9;
	v10 =	vand.u32 $0xFFFFFFE0, v10  }
0x124: {  	v9 =	vor.u32 v9, v10  }
0x125: {  	v10 =	vperm.xlane v9, v6;
	_ =	sdelay $0x1  }
0x126: {  	v10 =	vadd.s32 v7, v10;
	_ =	sdelay $0x1  }
0x127: {  	v9 =	vperm.xlane v9, v8;
	_ =	sdelay $0x1  }
0x128: {  	v9 =	vadd.s32 v7, v9  }
0x129: {  	[tilespmem:s10], [sflag:$0x1] =	stream.indirect_vreg.gather [hbm4b:s5+s4], $0x80, v10, vm0, $0xb8;
	[tilespmem:$0x16500] =	vst v63  }
0x12a: {  	_ = 	snop  }
0x12b: {  	[tilespmem:s1], [sflag:$0x1] =	stream.indirect_vreg.gather [hbm4b:s2+s4], $0x80, v10, vm0, $0xb8;
	[tilespmem:$0x16500] =	vst v63  }
0x12c: {  	_ = 	snop  }
0x12d: {  	[tilespmem:s3], [sflag:$0x1] =	stream.indirect_vreg.gather [hbm4b:s5+s4], $0x80, v9, vm0, $0xb8;
	[tilespmem:$0x16500] =	vst v63  }
0x12e: {  	_ = 	snop  }
0x12f: {  	[tilespmem:s16], [sflag:$0x1] =	stream.indirect_vreg.gather [hbm4b:s2+s4], $0x80, v9, vm0, $0xb8;
	[tilespmem:$0x16500] =	vst v63  }
0x130: {  	_ =	swait.ge [sflag:s31], $0x8000  }
0x131: {  	[sflag:s31] =	ssyncset.done $0x0  }
0x132: {  	[sflag:s31] =	ssyncadd.s32 $0xFFFF8000  }
0x133: {  	v9 =	vld [tilespmem:s0+$0xFFFFFFD0];
	_ =	sdelay $0x4  }
0x134: {  	v10 =	vshll.u32 v9, $0x2  }
0x135: {  	v9 =	vand.u32 $0x7, v9;
	v10 =	vand.u32 $0xFFFFFFE0, v10  }
0x136: {  	v9 =	vor.u32 v9, v10  }
0x137: {  	v10 =	vperm.xlane v9, v6;
	_ =	sdelay $0x1  }
0x138: {  	v10 =	vadd.s32 v7, v10;
	_ =	sdelay $0x1  }
0x139: {  	v9 =	vperm.xlane v9, v8;
	_ =	sdelay $0x1  }
0x13a: {  	v9 =	vadd.s32 v7, v9  }
0x13b: {  	[tilespmem:s9], [sflag:$0x2] =	stream.indirect_vreg.gather [hbm4b:s5+s4], $0x80, v10, vm0, $0xb8;
	[tilespmem:$0x16500] =	vst v63  }
0x13c: {  	_ = 	snop  }
0x13d: {  	[tilespmem:s20], [sflag:$0x2] =	stream.indirect_vreg.gather [hbm4b:s2+s4], $0x80, v10, vm0, $0xb8;
	[tilespmem:$0x16500] =	vst v63  }
0x13e: {  	_ = 	snop  }
0x13f: {  	[tilespmem:s24], [sflag:$0x2] =	stream.indirect_vreg.gather [hbm4b:s5+s4], $0x80, v9, vm0, $0xb8;
	[tilespmem:$0x16500] =	vst v63  }
0x140: {  	_ = 	snop  }
0x141: {  	[tilespmem:s25], [sflag:$0x2] =	stream.indirect_vreg.gather [hbm4b:s2+s4], $0x80, v9, vm0, $0xb8;
	[tilespmem:$0x16500] =	vst v63  }
0x142: {  	v9 =	vld [tilespmem:s0+$0xFFFFFFE0];
	_ =	sdelay $0x4  }
0x143: {  	v10 =	vshll.u32 v9, $0x2  }
0x144: {  	v9 =	vand.u32 $0x7, v9;
	v10 =	vand.u32 $0xFFFFFFE0, v10  }
0x145: {  	v9 =	vor.u32 v9, v10  }
0x146: {  	v10 =	vperm.xlane v9, v6;
	_ =	sdelay $0x1  }
0x147: {  	v10 =	vadd.s32 v7, v10;
	_ =	sdelay $0x1  }
0x148: {  	v9 =	vperm.xlane v9, v8;
	_ =	sdelay $0x1  }
0x149: {  	v9 =	vadd.s32 v7, v9  }
0x14a: {  	[tilespmem:s26], [sflag:$0x2] =	stream.indirect_vreg.gather [hbm4b:s5+s4], $0x80, v10, vm0, $0xb8;
	[tilespmem:$0x16500] =	vst v63  }
0x14b: {  	_ = 	snop  }
0x14c: {  	[tilespmem:s7], [sflag:$0x2] =	stream.indirect_vreg.gather [hbm4b:s2+s4], $0x80, v10, vm0, $0xb8;
	[tilespmem:$0x16500] =	vst v63  }
0x14d: {  	_ = 	snop  }
0x14e: {  	[tilespmem:s8], [sflag:$0x2] =	stream.indirect_vreg.gather [hbm4b:s5+s4], $0x80, v9, vm0, $0xb8;
	[tilespmem:$0x16500] =	vst v63  }
0x14f: {  	_ = 	snop  }
0x150: {  	[tilespmem:s11], [sflag:$0x2] =	stream.indirect_vreg.gather [hbm4b:s2+s4], $0x80, v9, vm0, $0xb8;
	[tilespmem:$0x16500] =	vst v63  }
0x151: {  	v9 =	vld [tilespmem:s0+$0xFFFFFFF0];
	_ =	sdelay $0x4  }
0x152: {  	v10 =	vshll.u32 v9, $0x2  }
0x153: {  	v9 =	vand.u32 $0x7, v9;
	v10 =	vand.u32 $0xFFFFFFE0, v10  }
0x154: {  	v9 =	vor.u32 v9, v10  }
0x155: {  	v10 =	vperm.xlane v9, v6;
	_ =	sdelay $0x1  }
0x156: {  	v10 =	vadd.s32 v7, v10;
	_ =	sdelay $0x1  }
0x157: {  	v9 =	vperm.xlane v9, v8;
	_ =	sdelay $0x1  }
0x158: {  	v9 =	vadd.s32 v7, v9  }
0x159: {  	[tilespmem:s12], [sflag:$0x2] =	stream.indirect_vreg.gather [hbm4b:s5+s4], $0x80, v10, vm0, $0xb8;
	[tilespmem:$0x16500] =	vst v63  }
0x15a: {  	_ = 	snop  }
0x15b: {  	[tilespmem:s13], [sflag:$0x2] =	stream.indirect_vreg.gather [hbm4b:s2+s4], $0x80, v10, vm0, $0xb8;
	[tilespmem:$0x16500] =	vst v63  }
0x15c: {  	_ = 	snop  }
0x15d: {  	[tilespmem:s14], [sflag:$0x2] =	stream.indirect_vreg.gather [hbm4b:s5+s4], $0x80, v9, vm0, $0xb8;
	[tilespmem:$0x16500] =	vst v63  }
0x15e: {  	_ = 	snop  }
0x15f: {  	[tilespmem:s15], [sflag:$0x2] =	stream.indirect_vreg.gather [hbm4b:s2+s4], $0x80, v9, vm0, $0xb8;
	[tilespmem:$0x16500] =	vst v63  }
0x160: {  	v9 =	vld [tilespmem:s0+$0x0];
	_ =	sdelay $0x4  }
0x161: {  	v10 =	vshll.u32 v9, $0x2  }
0x162: {  	v9 =	vand.u32 $0x7, v9;
	v10 =	vand.u32 $0xFFFFFFE0, v10  }
0x163: {  	v9 =	vor.u32 v9, v10  }
0x164: {  	v10 =	vperm.xlane v9, v6;
	_ =	sdelay $0x1  }
0x165: {  	v10 =	vadd.s32 v7, v10;
	_ =	sdelay $0x2  }
0x166: {  	v9 =	vperm.xlane v9, v8;
	_ =	sdelay $0x1  }
0x167: {  	v9 =	vadd.s32 v7, v9;
	[tilespmem:s18], [sflag:$0x2] =	stream.indirect_vreg.gather [hbm4b:s5+s4], $0x80, v10, vm0, $0xb8;
	[tilespmem:$0x16500] =	vst v63  }
0x168: {  	p0 =	sne.s32 s22, $0x60000  }
0x169: {  	[tilespmem:s19], [sflag:$0x2] =	stream.indirect_vreg.gather [hbm4b:s2+s4], $0x80, v10, vm0, $0xb8;
	[tilespmem:$0x16500] =	vst v63  }
.Ltmp0:
0x16a: {  	_ = 	snop;
	(pc) =	sbr.rel @p0 .LBB2_2-.Ltmp0, $4  }
0x16b: {  	s22 =	sadd.s32 $0x2000, s22  }
0x16c: {  	[tilespmem:s23], [sflag:$0x2] =	stream.indirect_vreg.gather [hbm4b:s5+s4], $0x80, v9, vm0, $0xb8;
	[tilespmem:$0x16500] =	vst v63  }
0x16d: {  	s6 =	simm.s32 $0x6500;
	s17 =	simm.s32 $0x15D00;
	s0 =	sadd.s32 $0x100, s0  }
0x16e: {  	[tilespmem:s17], [sflag:$0x2] =	stream.indirect_vreg.gather [hbm4b:s2+s4], $0x80, v9, vm0, $0xb8;
	[tilespmem:$0x16500] =	vst v63  }
0x16f: {  	_ =	swait.ge [sflag:s28], $0x8000  }
0x170: {  	[sflag:s28] =	ssyncset.done $0x0  }
0x171: {  	s0 =	rddreg [dreg:$0x8];
	[sflag:s28] =	ssyncadd.s32 $0xFFFF8000  }
0x172: {  	[hbm4b:s0+s4] =	stream.linear.scatter [tilespmem:s6], [sflag:$0x3], $0x8000, $0x38;
	[tilespmem:$0x16500] =	vst v63  }
0x173: {  	_ =	swait.ge [sflag:s29], $0x8000  }
0x174: {  	[sflag:s29] =	ssyncset.done $0x0  }
0x175: {  	s21 =	rddreg [dreg:$0x9];
	[sflag:s29] =	ssyncadd.s32 $0xFFFF8000  }
0x176: {  	[hbm4b:s21+s4] =	stream.linear.scatter [tilespmem:s9], [sflag:$0x4], $0x8000, $0x38;
	[tilespmem:$0x16500] =	vst v63  }
0x177: {  	_ =	swait.ge [sflag:s30], $0x8000  }
0x178: {  	[sflag:s30] =	ssyncset.done $0x0  }
0x179: {  	[sflag:s30] =	ssyncadd.s32 $0xFFFF8000  }
0x17a: {  	_ =	swait.ge [sflag:s31], $0x8000  }
0x17b: {  	s1 =	rddreg [dreg:$0xd]  }
0x17c: {  	s22 =	rddreg [dreg:$0xa];
	s1 =	sadd.s32 $0x1, s1  }
0x17d: {  	p0 =	sne.s32 s1, s22  }
.Ltmp1:
0x17e: {  	_ = 	snop;
	(pc) =	sbr.rel @p0 .LBB2_1-.Ltmp1, $3  }
0x17f: {  	_ =	sdelay $0x1  }
0x180: {  	[sflag:s31] =	ssyncset.done $0x0  }
0x181: {  	[sflag:s31] =	ssyncadd.s32 $0xFFFF8000  }
0x182: {  	_ =	sfence.sel $0x180000  }
0x183: {  	[bflag:$0x0] =	sbarrier.arrive $0xFFFF  }
0x184: {  	_ =	strace $0x90000047  }
0x185: {  	s0 =	stileid.u32;
	[bflag:$0x2] =	sbarrier.arrive $0xFFFF  }
0x186: {  	p0 =	sne.s32 s0, $0x0;
	s0 =	rddreg [dreg:$0x4]  }
0x187: {  	s0 =	sadd.s32 @!p0 $0x100000, s0  }
0x188: {  	[sflag:s0] =	ssyncadd.tile.s32 @!p0 $0x1;
	_ =	shalt  }
.Lfunc_end2:
_tile_overlayer_lowered:
.L_overlay_start_2:
0x189: {  	(tag) =	ssettag $0x2  }
0x18a: {  	s0 =	rddreg [dreg:$0x0];
	s2 =	stileid.u32  }
0x18b: {  	s1 =	rddreg [dreg:$0x1];
	p0 =	sne.s32 s2, $0x0  }
0x18c: {  	s3 =	rddreg [dreg:$0x2];
	[bflag:$0x3] =	sbarrier.arrive $0xFFFF;
	s2 =	simm.s32 @!p0 $0x1C06  }
0x18d: {  	[timem:s3], [sflag:s2] =	dma.local @!p0 [hbm:s0], s1  }
0x18e: {  	s0 =	simm.s32 @!p0 $0x6  }
0x18f: {  	_ =	swait.ge @!p0 [sflag:s0], s1  }
0x190: {  	s1 =	ssub.s32 @!p0 $0x0, s1;
	[sflag:s0] =	ssyncset.done @!p0 $0x0  }
0x191: {  	[sflag:s0] =	ssyncadd.s32 @!p0 s1  }
0x192: {  	[bflag:$0x3] =	sbarrier.arrive $0xFFFF  }
0x193: {  	_ =	shalt  }

</sc_bundles>
